<compile_context>
chip_gen: v7x
topology: tpu7x:2x2x1
jax: 0.10.2.dev20260603
libtpu: 0.0.44.dev20260713+nightly
codegen_flags: <defaults>
</compile_context>

<pallas_src>
import functools

import jax
import jax.numpy as jnp
from jax import lax
from jax.experimental import pallas as pl
from jax.experimental.pallas import tpu as pltpu
from jax.experimental.pallas import tpu_sc as plsc

N = 10000
E = 160000
D = 256
H = 128
OUT = 2

NC = 2
NS = 16
NW = NC * NS
CHUNK = 128
EPAD = 163840
ECH = EPAD // CHUNK
CPT = ECH // NW
NPAD = 10240
RPT = NPAD // NS

_mesh = lambda: plsc.VectorSubcoreMesh(core_axis_name="c", subcore_axis_name="s")


DW = 128


def _make_deg_kernel():

    @functools.partial(
        pl.kernel,
        out_type=jax.ShapeDtypeStruct((NC, NPAD, DW), jnp.float32),
        mesh=_mesh(),
        scratch_types=[
            pltpu.VMEM((CPT, CHUNK), jnp.int32),
            pltpu.VMEM((CHUNK, DW), jnp.float32),
            pltpu.VMEM_SHARED((NPAD, DW), jnp.float32),
        ],
    )
    def deg_kernel(dst2d_hbm, ones_hbm, z1d_hbm, out_hbm, didx, ones, acc):
        c = lax.axis_index("c")
        s = lax.axis_index("s")
        wid = s * NC + c
        r0 = pl.multiple_of(s * RPT, 8)
        pltpu.sync_copy(dst2d_hbm.at[pl.ds(wid * CPT, CPT)], didx)
        pltpu.sync_copy(ones_hbm, ones)
        pltpu.sync_copy(z1d_hbm, acc.at[pl.ds(r0, RPT)])
        plsc.subcore_barrier()

        def body(i, _):
            pltpu.sync_copy(ones, acc.at[didx.at[i]], add=True)
            return 0

        lax.fori_loop(0, CPT, body, 0)
        plsc.subcore_barrier()
        pltpu.sync_copy(acc.at[pl.ds(r0, RPT)], out_hbm.at[c, pl.ds(r0, RPT)])

    return deg_kernel


def _make_agg_kernel(F):

    @functools.partial(
        pl.kernel,
        out_type=jax.ShapeDtypeStruct((NC, NPAD, F), jnp.float32),
        mesh=_mesh(),
        scratch_types=[
            pltpu.VMEM((CPT, CHUNK), jnp.int32),
            pltpu.VMEM((CPT, CHUNK), jnp.int32),
            pltpu.VMEM((2, CHUNK, F), jnp.float32),
            pltpu.VMEM_SHARED((NPAD, F), jnp.float32),
        ] + [pltpu.SemaphoreType.DMA] * 2,
    )
    def agg_kernel(tbl_hbm, src2d_hbm, dst2d_hbm, z2d_hbm, out_hbm,
                   sidx, didx, rows, acc, *gsems):
        c = lax.axis_index("c")
        s = lax.axis_index("s")
        wid = c * NS + s
        r0 = pl.multiple_of(s * RPT, 8)
        pltpu.sync_copy(src2d_hbm.at[pl.ds(wid * CPT, CPT)], sidx)
        pltpu.sync_copy(dst2d_hbm.at[pl.ds(wid * CPT, CPT)], didx)

        def gather_start(j, q):
            pltpu.async_copy(tbl_hbm.at[sidx.at[j]], rows.at[q], gsems[q])

        def gather_wait(q):
            pltpu.make_async_copy(tbl_hbm.at[pl.ds(0, CHUNK)], rows.at[q],
                                  gsems[q]).wait()

        def scatter(j, q):
            gather_wait(q)
            pltpu.sync_copy(rows.at[q], acc.at[didx.at[j]], add=True)

        gather_start(0, 0)
        gather_start(1, 1)
        pltpu.sync_copy(z2d_hbm, acc.at[pl.ds(r0, RPT)])
        plsc.subcore_barrier()

        def body(t, _):
            j0 = t * 2
            for u in range(2):
                scatter(j0 + u, u)
                gather_start(j0 + u + 2, u)
            return 0

        lax.fori_loop(0, CPT // 2 - 1, body, 0)
        scatter(CPT - 2, 0)
        scatter(CPT - 1, 1)
        plsc.subcore_barrier()
        pltpu.sync_copy(acc.at[pl.ds(r0, RPT)], out_hbm.at[c, pl.ds(r0, RPT)])

    return agg_kernel



_BR = 1000


def _dinv_from_deg(deg_ref):
    d = deg_ref[0, :, 0:1] + deg_ref[1, :, 0:1] + 1.0
    y = lax.rsqrt(d)
    return y * (1.5 - 0.5 * d * y * y)


def _tc1a_body(x_ref, w1_ref, h1_ref):
    h1_ref[...] = jnp.dot(x_ref[...], w1_ref[...],
                          preferred_element_type=jnp.float32,
                          precision=lax.Precision.HIGHEST)


def _tc1b_body(h1_ref, deg_ref, hs1_ref):
    dinv = _dinv_from_deg(deg_ref)
    hs1_ref[...] = h1_ref[...] * dinv


def _tc2_body(acc_ref, hs1_ref, deg_ref, b1_ref, g_ref):
    dinv = _dinv_from_deg(deg_ref)
    pre = (acc_ref[0] + acc_ref[1] + hs1_ref[...]) * dinv + b1_ref[...]
    z = jnp.maximum(pre, 0.0)
    g_ref[...] = z * dinv


def _tc3_body(acc_ref, g_ref, deg_ref, w2_ref, b2_ref, out_ref):
    dinv = _dinv_from_deg(deg_ref)
    tot = acc_ref[0] + acc_ref[1] + g_ref[...]
    h2 = jnp.dot(tot, w2_ref[...], preferred_element_type=jnp.float32,
                 precision=lax.Precision.HIGHEST)
    out_ref[...] = h2 * dinv + b2_ref[...]


def kernel(x, edge_index, W1, b1, W2, b2):
    x = x.astype(jnp.float32)
    npad_e = EPAD - E
    pad_iota = jnp.arange(npad_e, dtype=jnp.int32)
    sent_src = (pad_iota * 37) % N
    sent_dst = N + pad_iota % (NPAD - N)
    src2d = jnp.concatenate([edge_index[0], sent_src]).reshape(ECH, CHUNK)
    dst2d = jnp.concatenate([edge_index[1], sent_dst]).reshape(ECH, CHUNK)
    ones2d = jnp.ones((CHUNK, DW), jnp.float32)
    z2d_h = jnp.zeros((RPT, H), jnp.float32)
    z1d = z2d_h

    deg_p = _make_deg_kernel()(dst2d, ones2d, z1d)
    _deg_spec = pl.BlockSpec((NC, _BR, DW), lambda i: (0, i, 0))
    _acc_spec = pl.BlockSpec((NC, _BR, H), lambda i: (0, i, 0))

    h1 = pl.pallas_call(
        _tc1a_body,
        grid=(N // _BR,),
        in_specs=[
            pl.BlockSpec((_BR, D), lambda i: (i, 0)),
            pl.BlockSpec((D, H), lambda i: (0, 0)),
        ],
        out_specs=pl.BlockSpec((_BR, H), lambda i: (i, 0)),
        out_shape=jax.ShapeDtypeStruct((N, H), jnp.float32),
    )(x, W1)

    hs1 = pl.pallas_call(
        _tc1b_body,
        grid=(N // _BR,),
        in_specs=[
            pl.BlockSpec((_BR, H), lambda i: (i, 0)),
            _deg_spec,
        ],
        out_specs=pl.BlockSpec((_BR, H), lambda i: (i, 0)),
        out_shape=jax.ShapeDtypeStruct((N, H), jnp.float32),
    )(h1, deg_p)

    acc1 = _make_agg_kernel(H)(hs1, src2d, dst2d, z2d_h)

    g = pl.pallas_call(
        _tc2_body,
        grid=(N // _BR,),
        in_specs=[
            _acc_spec,
            pl.BlockSpec((_BR, H), lambda i: (i, 0)),
            _deg_spec,
            pl.BlockSpec((1, H), lambda i: (0, 0)),
        ],
        out_specs=pl.BlockSpec((_BR, H), lambda i: (i, 0)),
        out_shape=jax.ShapeDtypeStruct((N, H), jnp.float32),
    )(acc1, hs1, deg_p, b1.reshape(1, H))

    acc2 = _make_agg_kernel(H)(g, src2d, dst2d, z2d_h)

    out = pl.pallas_call(
        _tc3_body,
        grid=(N // _BR,),
        in_specs=[
            _acc_spec,
            pl.BlockSpec((_BR, H), lambda i: (i, 0)),
            _deg_spec,
            pl.BlockSpec((H, OUT), lambda i: (0, 0)),
            pl.BlockSpec((1, OUT), lambda i: (0, 0)),
        ],
        out_specs=pl.BlockSpec((_BR, OUT), lambda i: (i, 0)),
        out_shape=jax.ShapeDtypeStruct((N, OUT), jnp.float32),
    )(acc2, g, deg_p, W2, b2.reshape(1, OUT))

    return out

# --- scband reference (transcript-rebuilt; emitter-appended) ---
"""Pipeline reference for scband-gcn-463856467978 (READ-ONLY COPY).

The authoritative reference and input builder live on the scoring server;
editing this copy changes nothing except your own understanding.
"""

import jax, jax.numpy as jnp
import numpy as np

N = 10000
E = 160000
D = 256
H = 128
OUT = 2


def setup_inputs(seed: int = 0) -> dict:
    key = jax.random.key(seed)
    k1, k2, k3, k4, k5, k6 = jax.random.split(key, 6)
    x = jax.random.normal(k1, (N, D), dtype=jnp.float32)
    edge_index = jax.random.randint(k2, (2, E), 0, N, dtype=jnp.int32)
    W1 = jax.random.normal(k3, (D, H), dtype=jnp.float32) * 0.05
    b1 = jnp.zeros((H,), dtype=jnp.float32)
    W2 = jax.random.normal(k4, (H, OUT), dtype=jnp.float32) * 0.05
    b2 = jnp.zeros((OUT,), dtype=jnp.float32)
    return {"x": x, "edge_index": edge_index, "W1": W1, "b1": b1, "W2": W2, "b2": b2}


def _gcn_conv(x, src, dst, W, b):
    n = x.shape[0]
    h = x @ W
    deg = jnp.zeros((n,), dtype=h.dtype).at[dst].add(1.0)
    dinv = jnp.where(deg > 0, deg ** -0.5, 0.0)
    norm = dinv[src] * dinv[dst]
    msg = h[src] * norm[:, None]
    out = jnp.zeros_like(h).at[dst].add(msg)
    return out + b


def reference(x, edge_index, W1, b1, W2, b2):
    x = x.astype(jnp.float32)
    n = x.shape[0]
    loop = jnp.arange(n, dtype=edge_index.dtype)
    src = jnp.concatenate([edge_index[0], loop])
    dst = jnp.concatenate([edge_index[1], loop])
    h = jax.nn.relu(_gcn_conv(x, src, dst, W1, b1))
    out = _gcn_conv(h, src, dst, W2, b2)
    return out

if __name__ == "__main__":
    import jax
    _d = setup_inputs()
    print(jax.jit(kernel)(*tuple(_d.values())))

</pallas_src>

<mosaic_0001>
#map = affine_map<(d0, d1) -> (0, 0)>
#map1 = affine_map<(d0, d1) -> (0, 0, 0)>
module attributes {stable_mosaic.version = 14 : i64} {
  func.func @agg_kernel(%arg0: i32, %arg1: i32, %arg2: memref<10000x128xf32, #tpu.memory_space<hbm>>, %arg3: memref<1280x128xi32, #tpu.memory_space<hbm>>, %arg4: memref<1280x128xi32, #tpu.memory_space<hbm>>, %arg5: memref<640x128xf32, #tpu.memory_space<hbm>>, %arg6: memref<2x10240x128xf32, #tpu.memory_space<hbm>>, %arg7: memref<40x128xi32, #tpu.memory_space<vmem>>, %arg8: memref<40x128xi32, #tpu.memory_space<vmem>>, %arg9: memref<2x128x128xf32, #tpu.memory_space<vmem>>, %arg10: memref<10240x128xf32, #tpu.memory_space<vmem_shared>>, %arg11: memref<!tpu.dma_semaphore, #tpu.memory_space<semaphore_mem>>, %arg12: memref<!tpu.dma_semaphore, #tpu.memory_space<semaphore_mem>>) attributes {dimension_semantics = [#tpu.dimension_semantics<core_parallel>, #tpu.dimension_semantics<subcore_parallel>], iteration_bounds = array<i64: 2, 16>, scalar_prefetch = 0 : i64, scratch_operands = 6 : i64, tpu.core_type = #tpu.core_type<sc_vector_subcore>, window_params = [{transform_indices = #map}, {transform_indices = #map}, {transform_indices = #map}, {transform_indices = #map}, {transform_indices = #map1}]} {
    %mul3A = arith.constant 16 : i32
    %mul3A_0 = arith.muli %arg0, %mul3A : i32
    %add3A = arith.addi %mul3A_0, %arg1 : i32
    %mul3A_1 = arith.constant 640 : i32
    %mul3A_2 = arith.muli %arg1, %mul3A_1 : i32
    %multiple_of3A = tpu.assume_multiple %mul3A_2, 8 : i32
    %mul3A_3 = arith.constant 40 : i32
    %mul3A_4 = arith.muli %add3A, %mul3A_3 : i32
    "tpu.region"() ({
      %run_scoped3A_69 = tpu.sem_alloc : memref<!tpu.dma_semaphore, #tpu.memory_space<semaphore_mem>>
      %dma_start3A_70 = arith.constant 0 : i32
      %dma_start3A_71 = tpu.memref_slice %arg3[%mul3A_4, %dma_start3A_70] : memref<1280x128xi32, #tpu.memory_space<hbm>> -> memref<40x128xi32, #tpu.memory_space<hbm>>
      %dma_start3A_72 = arith.constant 0 : i32
      %dma_start3A_73 = tpu.memref_slice %arg3[%mul3A_4, %dma_start3A_72] : memref<1280x128xi32, #tpu.memory_space<hbm>> -> memref<40x128xi32, #tpu.memory_space<hbm>>
      tpu.enqueue_dma source(%dma_start3A_73 : memref<40x128xi32, #tpu.memory_space<hbm>>) target(%arg7 : memref<40x128xi32, #tpu.memory_space<vmem>>) target_semaphore(%run_scoped3A_69 : memref<!tpu.dma_semaphore, #tpu.memory_space<semaphore_mem>>)
      %dma_wait3A_74 = arith.constant 0 : i32
      %dma_wait3A_75 = tpu.memref_slice %arg3[%mul3A_4, %dma_wait3A_74] : memref<1280x128xi32, #tpu.memory_space<hbm>> -> memref<40x128xi32, #tpu.memory_space<hbm>>
      %dma_wait3A_76 = arith.constant 0 : i32
      %dma_wait3A_77 = tpu.memref_slice %arg3[%mul3A_4, %dma_wait3A_76] : memref<1280x128xi32, #tpu.memory_space<hbm>> -> memref<40x128xi32, #tpu.memory_space<hbm>>
      tpu.wait_dma2 semaphore(%run_scoped3A_69 : memref<!tpu.dma_semaphore, #tpu.memory_space<semaphore_mem>>) src(%dma_wait3A_77 : memref<40x128xi32, #tpu.memory_space<hbm>>) dst(%arg7 : memref<40x128xi32, #tpu.memory_space<vmem>>)
      tpu.yield
    }) : () -> ()
    %mul3A_5 = arith.constant 40 : i32
    %mul3A_6 = arith.muli %add3A, %mul3A_5 : i32
    "tpu.region"() ({
      %run_scoped3A_69 = tpu.sem_alloc : memref<!tpu.dma_semaphore, #tpu.memory_space<semaphore_mem>>
      %dma_start3A_70 = arith.constant 0 : i32
      %dma_start3A_71 = tpu.memref_slice %arg4[%mul3A_6, %dma_start3A_70] : memref<1280x128xi32, #tpu.memory_space<hbm>> -> memref<40x128xi32, #tpu.memory_space<hbm>>
      %dma_start3A_72 = arith.constant 0 : i32
      %dma_start3A_73 = tpu.memref_slice %arg4[%mul3A_6, %dma_start3A_72] : memref<1280x128xi32, #tpu.memory_space<hbm>> -> memref<40x128xi32, #tpu.memory_space<hbm>>
      tpu.enqueue_dma source(%dma_start3A_73 : memref<40x128xi32, #tpu.memory_space<hbm>>) target(%arg8 : memref<40x128xi32, #tpu.memory_space<vmem>>) target_semaphore(%run_scoped3A_69 : memref<!tpu.dma_semaphore, #tpu.memory_space<semaphore_mem>>)
      %dma_wait3A_74 = arith.constant 0 : i32
      %dma_wait3A_75 = tpu.memref_slice %arg4[%mul3A_6, %dma_wait3A_74] : memref<1280x128xi32, #tpu.memory_space<hbm>> -> memref<40x128xi32, #tpu.memory_space<hbm>>
      %dma_wait3A_76 = arith.constant 0 : i32
      %dma_wait3A_77 = tpu.memref_slice %arg4[%mul3A_6, %dma_wait3A_76] : memref<1280x128xi32, #tpu.memory_space<hbm>> -> memref<40x128xi32, #tpu.memory_space<hbm>>
      tpu.wait_dma2 semaphore(%run_scoped3A_69 : memref<!tpu.dma_semaphore, #tpu.memory_space<semaphore_mem>>) src(%dma_wait3A_77 : memref<40x128xi32, #tpu.memory_space<hbm>>) dst(%arg8 : memref<40x128xi32, #tpu.memory_space<vmem>>)
      tpu.yield
    }) : () -> ()
    %dma_start3A = arith.constant 0 : i32
    %dma_start3A_7 = arith.constant 0 : i32
    %dma_start3A_8 = arith.constant 0 : i32
    %dma_start3A_9 = arith.constant 0 : i32
    %dma_start3A_10 = tpu.memref_slice %arg9[%dma_start3A_7, %dma_start3A_8, %dma_start3A_9] : memref<2x128x128xf32, #tpu.memory_space<vmem>> -> memref<1x128x128xf32, #tpu.memory_space<vmem>>
    %dma_start3A_11 = tpu.memref_squeeze %dma_start3A_10 : memref<1x128x128xf32, #tpu.memory_space<vmem>> -> memref<128x128xf32, #tpu.memory_space<vmem>>
    %dma_start3A_12 = arith.constant 0 : i32
    %dma_start3A_13 = tpu.memref_slice %arg7[%dma_start3A, %dma_start3A_12] : memref<40x128xi32, #tpu.memory_space<vmem>> -> memref<1x128xi32, #tpu.memory_space<vmem>>
    %dma_start3A_14 = tpu.memref_squeeze %dma_start3A_13 : memref<1x128xi32, #tpu.memory_space<vmem>> -> memref<128xi32, #tpu.memory_space<vmem>>
    %dma_start3A_15 = arith.constant 0 : i32
    %dma_start3A_16 = arith.constant 0 : i32
    %dma_start3A_17 = tpu.memref_slice %arg2[%dma_start3A_15, %dma_start3A_16] : memref<10000x128xf32, #tpu.memory_space<hbm>> -> memref<10000x128xf32, #tpu.memory_space<hbm>>
    tpu.enqueue_indirect_dma source(%dma_start3A_17 : memref<10000x128xf32, #tpu.memory_space<hbm>>) target(%dma_start3A_11 : memref<128x128xf32, #tpu.memory_space<vmem>>) offsets(%dma_start3A_14 : memref<128xi32, #tpu.memory_space<vmem>>) semaphore(%arg11 : memref<!tpu.dma_semaphore, #tpu.memory_space<semaphore_mem>>)
    %dma_start3A_18 = arith.constant 1 : i32
    %dma_start3A_19 = arith.constant 1 : i32
    %dma_start3A_20 = arith.constant 0 : i32
    %dma_start3A_21 = arith.constant 0 : i32
    %dma_start3A_22 = tpu.memref_slice %arg9[%dma_start3A_19, %dma_start3A_20, %dma_start3A_21] : memref<2x128x128xf32, #tpu.memory_space<vmem>> -> memref<1x128x128xf32, #tpu.memory_space<vmem>>
    %dma_start3A_23 = tpu.memref_squeeze %dma_start3A_22 : memref<1x128x128xf32, #tpu.memory_space<vmem>> -> memref<128x128xf32, #tpu.memory_space<vmem>>
    %dma_start3A_24 = arith.constant 0 : i32
    %dma_start3A_25 = tpu.memref_slice %arg7[%dma_start3A_18, %dma_start3A_24] : memref<40x128xi32, #tpu.memory_space<vmem>> -> memref<1x128xi32, #tpu.memory_space<vmem>>
    %dma_start3A_26 = tpu.memref_squeeze %dma_start3A_25 : memref<1x128xi32, #tpu.memory_space<vmem>> -> memref<128xi32, #tpu.memory_space<vmem>>
    %dma_start3A_27 = arith.constant 0 : i32
    %dma_start3A_28 = arith.constant 0 : i32
    %dma_start3A_29 = tpu.memref_slice %arg2[%dma_start3A_27, %dma_start3A_28] : memref<10000x128xf32, #tpu.memory_space<hbm>> -> memref<10000x128xf32, #tpu.memory_space<hbm>>
    tpu.enqueue_indirect_dma source(%dma_start3A_29 : memref<10000x128xf32, #tpu.memory_space<hbm>>) target(%dma_start3A_23 : memref<128x128xf32, #tpu.memory_space<vmem>>) offsets(%dma_start3A_26 : memref<128xi32, #tpu.memory_space<vmem>>) semaphore(%arg12 : memref<!tpu.dma_semaphore, #tpu.memory_space<semaphore_mem>>)
    "tpu.region"() ({
      %run_scoped3A_69 = tpu.sem_alloc : memref<!tpu.dma_semaphore, #tpu.memory_space<semaphore_mem>>
      %dma_start3A_70 = arith.constant 0 : i32
      %dma_start3A_71 = tpu.memref_slice %arg10[%multiple_of3A, %dma_start3A_70] : memref<10240x128xf32, #tpu.memory_space<vmem_shared>> -> memref<640x128xf32, #tpu.memory_space<vmem_shared>>
      tpu.enqueue_dma source(%arg5 : memref<640x128xf32, #tpu.memory_space<hbm>>) target(%dma_start3A_71 : memref<640x128xf32, #tpu.memory_space<vmem_shared>>) target_semaphore(%run_scoped3A_69 : memref<!tpu.dma_semaphore, #tpu.memory_space<semaphore_mem>>)
      %dma_wait3A_72 = arith.constant 0 : i32
      %dma_wait3A_73 = tpu.memref_slice %arg10[%multiple_of3A, %dma_wait3A_72] : memref<10240x128xf32, #tpu.memory_space<vmem_shared>> -> memref<640x128xf32, #tpu.memory_space<vmem_shared>>
      tpu.wait_dma2 semaphore(%run_scoped3A_69 : memref<!tpu.dma_semaphore, #tpu.memory_space<semaphore_mem>>) src(%arg5 : memref<640x128xf32, #tpu.memory_space<hbm>>) dst(%dma_wait3A_73 : memref<640x128xf32, #tpu.memory_space<vmem_shared>>)
      tpu.yield
    }) : () -> ()
    %barrier3A = arith.constant 0 : index
    tpu.barrier barrier_id(%barrier3A)
    %scan3A = arith.constant 0 : i32
    %scan3A_30 = arith.constant 0 : i32
    %scan3A_31 = arith.constant 19 : i32
    %scan3A_32 = arith.addi %scan3A_30, %scan3A_31 : i32
    %scan3A_33 = arith.constant 1 : i32
    %scan3A_34 = scf.for %scan3A_69 = %scan3A_30 to %scan3A_32 step %scan3A_33 iter_args(%scan3A_70 = %scan3A) -> (i32)  : i32 {
      %mul3A_71 = arith.constant 2 : i32
      %mul3A_72 = arith.muli %scan3A_69, %mul3A_71 : i32
      %add3A_73 = arith.constant 0 : i32
      %add3A_74 = arith.addi %mul3A_72, %add3A_73 : i32
      %dma_wait3A_75 = arith.constant 0 : i32
      %dma_wait3A_76 = arith.constant 0 : i32
      %dma_wait3A_77 = arith.constant 0 : i32
      %dma_wait3A_78 = tpu.memref_slice %arg9[%dma_wait3A_75, %dma_wait3A_76, %dma_wait3A_77] : memref<2x128x128xf32, #tpu.memory_space<vmem>> -> memref<1x128x128xf32, #tpu.memory_space<vmem>>
      %dma_wait3A_79 = tpu.memref_squeeze %dma_wait3A_78 : memref<1x128x128xf32, #tpu.memory_space<vmem>> -> memref<128x128xf32, #tpu.memory_space<vmem>>
      %dma_wait3A_80 = arith.constant 0 : i32
      %dma_wait3A_81 = arith.constant 0 : i32
      %dma_wait3A_82 = tpu.memref_slice %arg2[%dma_wait3A_80, %dma_wait3A_81] : memref<10000x128xf32, #tpu.memory_space<hbm>> -> memref<128x128xf32, #tpu.memory_space<hbm>>
      %dma_wait3A_83 = arith.constant 0 : i32
      %dma_wait3A_84 = arith.constant 0 : i32
      %dma_wait3A_85 = tpu.memref_slice %arg9[%dma_wait3A_75, %dma_wait3A_83, %dma_wait3A_84] : memref<2x128x128xf32, #tpu.memory_space<vmem>> -> memref<1x128x128xf32, #tpu.memory_space<vmem>>
      %dma_wait3A_86 = tpu.memref_squeeze %dma_wait3A_85 : memref<1x128x128xf32, #tpu.memory_space<vmem>> -> memref<128x128xf32, #tpu.memory_space<vmem>>
      %dma_wait3A_87 = arith.constant 0 : i32
      %dma_wait3A_88 = arith.constant 0 : i32
      %dma_wait3A_89 = tpu.memref_slice %arg2[%dma_wait3A_87, %dma_wait3A_88] : memref<10000x128xf32, #tpu.memory_space<hbm>> -> memref<128x128xf32, #tpu.memory_space<hbm>>
      tpu.wait_dma2 semaphore(%arg11 : memref<!tpu.dma_semaphore, #tpu.memory_space<semaphore_mem>>) src(%dma_wait3A_89 : memref<128x128xf32, #tpu.memory_space<hbm>>) dst(%dma_wait3A_86 : memref<128x128xf32, #tpu.memory_space<vmem>>)
      %run_scoped3A_90 = arith.constant 0 : i32
      "tpu.region"() ({
        %run_scoped3A_140 = tpu.sem_alloc : memref<!tpu.dma_semaphore, #tpu.memory_space<semaphore_mem>>
        %dma_start3A_141 = arith.constant 0 : i32
        %dma_start3A_142 = arith.constant 0 : i32
        %dma_start3A_143 = tpu.memref_slice %arg9[%run_scoped3A_90, %dma_start3A_141, %dma_start3A_142] : memref<2x128x128xf32, #tpu.memory_space<vmem>> -> memref<1x128x128xf32, #tpu.memory_space<vmem>>
        %dma_start3A_144 = tpu.memref_squeeze %dma_start3A_143 : memref<1x128x128xf32, #tpu.memory_space<vmem>> -> memref<128x128xf32, #tpu.memory_space<vmem>>
        %dma_start3A_145 = arith.constant 0 : i32
        %dma_start3A_146 = tpu.memref_slice %arg8[%add3A_74, %dma_start3A_145] : memref<40x128xi32, #tpu.memory_space<vmem>> -> memref<1x128xi32, #tpu.memory_space<vmem>>
        %dma_start3A_147 = tpu.memref_squeeze %dma_start3A_146 : memref<1x128xi32, #tpu.memory_space<vmem>> -> memref<128xi32, #tpu.memory_space<vmem>>
        %dma_start3A_148 = arith.constant 0 : i32
        %dma_start3A_149 = arith.constant 0 : i32
        %dma_start3A_150 = tpu.memref_slice %arg10[%dma_start3A_148, %dma_start3A_149] : memref<10240x128xf32, #tpu.memory_space<vmem_shared>> -> memref<10240x128xf32, #tpu.memory_space<vmem_shared>>
        tpu.enqueue_indirect_dma source(%dma_start3A_144 : memref<128x128xf32, #tpu.memory_space<vmem>>) target(%dma_start3A_150 : memref<10240x128xf32, #tpu.memory_space<vmem_shared>>) offsets(%dma_start3A_147 : memref<128xi32, #tpu.memory_space<vmem>>) semaphore(%run_scoped3A_140 : memref<!tpu.dma_semaphore, #tpu.memory_space<semaphore_mem>>) {add = true}
        %dma_wait3A_151 = arith.constant 0 : i32
        %dma_wait3A_152 = arith.constant 0 : i32
        %dma_wait3A_153 = tpu.memref_slice %arg9[%run_scoped3A_90, %dma_wait3A_151, %dma_wait3A_152] : memref<2x128x128xf32, #tpu.memory_space<vmem>> -> memref<1x128x128xf32, #tpu.memory_space<vmem>>
        %dma_wait3A_154 = tpu.memref_squeeze %dma_wait3A_153 : memref<1x128x128xf32, #tpu.memory_space<vmem>> -> memref<128x128xf32, #tpu.memory_space<vmem>>
        %dma_wait3A_155 = arith.constant 0 : i32
        %dma_wait3A_156 = tpu.memref_slice %arg8[%add3A_74, %dma_wait3A_155] : memref<40x128xi32, #tpu.memory_space<vmem>> -> memref<1x128xi32, #tpu.memory_space<vmem>>
        %dma_wait3A_157 = tpu.memref_squeeze %dma_wait3A_156 : memref<1x128xi32, #tpu.memory_space<vmem>> -> memref<128xi32, #tpu.memory_space<vmem>>
        %dma_wait3A_158 = arith.constant 0 : i32
        %dma_wait3A_159 = arith.constant 0 : i32
        %dma_wait3A_160 = tpu.memref_slice %arg10[%dma_wait3A_158, %dma_wait3A_159] : memref<10240x128xf32, #tpu.memory_space<vmem_shared>> -> memref<10240x128xf32, #tpu.memory_space<vmem_shared>>
        tpu.wait_indirect_dma semaphore(%run_scoped3A_140 : memref<!tpu.dma_semaphore, #tpu.memory_space<semaphore_mem>>) src(%dma_wait3A_154 : memref<128x128xf32, #tpu.memory_space<vmem>>) dst(%dma_wait3A_160 : memref<10240x128xf32, #tpu.memory_space<vmem_shared>>)
        tpu.yield
      }) : () -> ()
      %add3A_91 = arith.constant 0 : i32
      %add3A_92 = arith.addi %mul3A_72, %add3A_91 : i32
      %add3A_93 = arith.constant 2 : i32
      %add3A_94 = arith.addi %add3A_92, %add3A_93 : i32
      %dma_start3A_95 = arith.constant 0 : i32
      %dma_start3A_96 = arith.constant 0 : i32
      %dma_start3A_97 = arith.constant 0 : i32
      %dma_start3A_98 = tpu.memref_slice %arg9[%dma_start3A_95, %dma_start3A_96, %dma_start3A_97] : memref<2x128x128xf32, #tpu.memory_space<vmem>> -> memref<1x128x128xf32, #tpu.memory_space<vmem>>
      %dma_start3A_99 = tpu.memref_squeeze %dma_start3A_98 : memref<1x128x128xf32, #tpu.memory_space<vmem>> -> memref<128x128xf32, #tpu.memory_space<vmem>>
      %dma_start3A_100 = arith.constant 0 : i32
      %dma_start3A_101 = tpu.memref_slice %arg7[%add3A_94, %dma_start3A_100] : memref<40x128xi32, #tpu.memory_space<vmem>> -> memref<1x128xi32, #tpu.memory_space<vmem>>
      %dma_start3A_102 = tpu.memref_squeeze %dma_start3A_101 : memref<1x128xi32, #tpu.memory_space<vmem>> -> memref<128xi32, #tpu.memory_space<vmem>>
      %dma_start3A_103 = arith.constant 0 : i32
      %dma_start3A_104 = arith.constant 0 : i32
      %dma_start3A_105 = tpu.memref_slice %arg2[%dma_start3A_103, %dma_start3A_104] : memref<10000x128xf32, #tpu.memory_space<hbm>> -> memref<10000x128xf32, #tpu.memory_space<hbm>>
      tpu.enqueue_indirect_dma source(%dma_start3A_105 : memref<10000x128xf32, #tpu.memory_space<hbm>>) target(%dma_start3A_99 : memref<128x128xf32, #tpu.memory_space<vmem>>) offsets(%dma_start3A_102 : memref<128xi32, #tpu.memory_space<vmem>>) semaphore(%arg11 : memref<!tpu.dma_semaphore, #tpu.memory_space<semaphore_mem>>)
      %add3A_106 = arith.constant 1 : i32
      %add3A_107 = arith.addi %mul3A_72, %add3A_106 : i32
      %dma_wait3A_108 = arith.constant 1 : i32
      %dma_wait3A_109 = arith.constant 0 : i32
      %dma_wait3A_110 = arith.constant 0 : i32
      %dma_wait3A_111 = tpu.memref_slice %arg9[%dma_wait3A_108, %dma_wait3A_109, %dma_wait3A_110] : memref<2x128x128xf32, #tpu.memory_space<vmem>> -> memref<1x128x128xf32, #tpu.memory_space<vmem>>
      %dma_wait3A_112 = tpu.memref_squeeze %dma_wait3A_111 : memref<1x128x128xf32, #tpu.memory_space<vmem>> -> memref<128x128xf32, #tpu.memory_space<vmem>>
      %dma_wait3A_113 = arith.constant 0 : i32
      %dma_wait3A_114 = arith.constant 0 : i32
      %dma_wait3A_115 = tpu.memref_slice %arg2[%dma_wait3A_113, %dma_wait3A_114] : memref<10000x128xf32, #tpu.memory_space<hbm>> -> memref<128x128xf32, #tpu.memory_space<hbm>>
      %dma_wait3A_116 = arith.constant 0 : i32
      %dma_wait3A_117 = arith.constant 0 : i32
      %dma_wait3A_118 = tpu.memref_slice %arg9[%dma_wait3A_108, %dma_wait3A_116, %dma_wait3A_117] : memref<2x128x128xf32, #tpu.memory_space<vmem>> -> memref<1x128x128xf32, #tpu.memory_space<vmem>>
      %dma_wait3A_119 = tpu.memref_squeeze %dma_wait3A_118 : memref<1x128x128xf32, #tpu.memory_space<vmem>> -> memref<128x128xf32, #tpu.memory_space<vmem>>
      %dma_wait3A_120 = arith.constant 0 : i32
      %dma_wait3A_121 = arith.constant 0 : i32
      %dma_wait3A_122 = tpu.memref_slice %arg2[%dma_wait3A_120, %dma_wait3A_121] : memref<10000x128xf32, #tpu.memory_space<hbm>> -> memref<128x128xf32, #tpu.memory_space<hbm>>
      tpu.wait_dma2 semaphore(%arg12 : memref<!tpu.dma_semaphore, #tpu.memory_space<semaphore_mem>>) src(%dma_wait3A_122 : memref<128x128xf32, #tpu.memory_space<hbm>>) dst(%dma_wait3A_119 : memref<128x128xf32, #tpu.memory_space<vmem>>)
      %run_scoped3A_123 = arith.constant 1 : i32
      "tpu.region"() ({
        %run_scoped3A_140 = tpu.sem_alloc : memref<!tpu.dma_semaphore, #tpu.memory_space<semaphore_mem>>
        %dma_start3A_141 = arith.constant 0 : i32
        %dma_start3A_142 = arith.constant 0 : i32
        %dma_start3A_143 = tpu.memref_slice %arg9[%run_scoped3A_123, %dma_start3A_141, %dma_start3A_142] : memref<2x128x128xf32, #tpu.memory_space<vmem>> -> memref<1x128x128xf32, #tpu.memory_space<vmem>>
        %dma_start3A_144 = tpu.memref_squeeze %dma_start3A_143 : memref<1x128x128xf32, #tpu.memory_space<vmem>> -> memref<128x128xf32, #tpu.memory_space<vmem>>
        %dma_start3A_145 = arith.constant 0 : i32
        %dma_start3A_146 = tpu.memref_slice %arg8[%add3A_107, %dma_start3A_145] : memref<40x128xi32, #tpu.memory_space<vmem>> -> memref<1x128xi32, #tpu.memory_space<vmem>>
        %dma_start3A_147 = tpu.memref_squeeze %dma_start3A_146 : memref<1x128xi32, #tpu.memory_space<vmem>> -> memref<128xi32, #tpu.memory_space<vmem>>
        %dma_start3A_148 = arith.constant 0 : i32
        %dma_start3A_149 = arith.constant 0 : i32
        %dma_start3A_150 = tpu.memref_slice %arg10[%dma_start3A_148, %dma_start3A_149] : memref<10240x128xf32, #tpu.memory_space<vmem_shared>> -> memref<10240x128xf32, #tpu.memory_space<vmem_shared>>
        tpu.enqueue_indirect_dma source(%dma_start3A_144 : memref<128x128xf32, #tpu.memory_space<vmem>>) target(%dma_start3A_150 : memref<10240x128xf32, #tpu.memory_space<vmem_shared>>) offsets(%dma_start3A_147 : memref<128xi32, #tpu.memory_space<vmem>>) semaphore(%run_scoped3A_140 : memref<!tpu.dma_semaphore, #tpu.memory_space<semaphore_mem>>) {add = true}
        %dma_wait3A_151 = arith.constant 0 : i32
        %dma_wait3A_152 = arith.constant 0 : i32
        %dma_wait3A_153 = tpu.memref_slice %arg9[%run_scoped3A_123, %dma_wait3A_151, %dma_wait3A_152] : memref<2x128x128xf32, #tpu.memory_space<vmem>> -> memref<1x128x128xf32, #tpu.memory_space<vmem>>
        %dma_wait3A_154 = tpu.memref_squeeze %dma_wait3A_153 : memref<1x128x128xf32, #tpu.memory_space<vmem>> -> memref<128x128xf32, #tpu.memory_space<vmem>>
        %dma_wait3A_155 = arith.constant 0 : i32
        %dma_wait3A_156 = tpu.memref_slice %arg8[%add3A_107, %dma_wait3A_155] : memref<40x128xi32, #tpu.memory_space<vmem>> -> memref<1x128xi32, #tpu.memory_space<vmem>>
        %dma_wait3A_157 = tpu.memref_squeeze %dma_wait3A_156 : memref<1x128xi32, #tpu.memory_space<vmem>> -> memref<128xi32, #tpu.memory_space<vmem>>
        %dma_wait3A_158 = arith.constant 0 : i32
        %dma_wait3A_159 = arith.constant 0 : i32
        %dma_wait3A_160 = tpu.memref_slice %arg10[%dma_wait3A_158, %dma_wait3A_159] : memref<10240x128xf32, #tpu.memory_space<vmem_shared>> -> memref<10240x128xf32, #tpu.memory_space<vmem_shared>>
        tpu.wait_indirect_dma semaphore(%run_scoped3A_140 : memref<!tpu.dma_semaphore, #tpu.memory_space<semaphore_mem>>) src(%dma_wait3A_154 : memref<128x128xf32, #tpu.memory_space<vmem>>) dst(%dma_wait3A_160 : memref<10240x128xf32, #tpu.memory_space<vmem_shared>>)
        tpu.yield
      }) : () -> ()
      %add3A_124 = arith.constant 1 : i32
      %add3A_125 = arith.addi %mul3A_72, %add3A_124 : i32
      %add3A_126 = arith.constant 2 : i32
      %add3A_127 = arith.addi %add3A_125, %add3A_126 : i32
      %dma_start3A_128 = arith.constant 1 : i32
      %dma_start3A_129 = arith.constant 0 : i32
      %dma_start3A_130 = arith.constant 0 : i32
      %dma_start3A_131 = tpu.memref_slice %arg9[%dma_start3A_128, %dma_start3A_129, %dma_start3A_130] : memref<2x128x128xf32, #tpu.memory_space<vmem>> -> memref<1x128x128xf32, #tpu.memory_space<vmem>>
      %dma_start3A_132 = tpu.memref_squeeze %dma_start3A_131 : memref<1x128x128xf32, #tpu.memory_space<vmem>> -> memref<128x128xf32, #tpu.memory_space<vmem>>
      %dma_start3A_133 = arith.constant 0 : i32
      %dma_start3A_134 = tpu.memref_slice %arg7[%add3A_127, %dma_start3A_133] : memref<40x128xi32, #tpu.memory_space<vmem>> -> memref<1x128xi32, #tpu.memory_space<vmem>>
      %dma_start3A_135 = tpu.memref_squeeze %dma_start3A_134 : memref<1x128xi32, #tpu.memory_space<vmem>> -> memref<128xi32, #tpu.memory_space<vmem>>
      %dma_start3A_136 = arith.constant 0 : i32
      %dma_start3A_137 = arith.constant 0 : i32
      %dma_start3A_138 = tpu.memref_slice %arg2[%dma_start3A_136, %dma_start3A_137] : memref<10000x128xf32, #tpu.memory_space<hbm>> -> memref<10000x128xf32, #tpu.memory_space<hbm>>
      tpu.enqueue_indirect_dma source(%dma_start3A_138 : memref<10000x128xf32, #tpu.memory_space<hbm>>) target(%dma_start3A_132 : memref<128x128xf32, #tpu.memory_space<vmem>>) offsets(%dma_start3A_135 : memref<128xi32, #tpu.memory_space<vmem>>) semaphore(%arg12 : memref<!tpu.dma_semaphore, #tpu.memory_space<semaphore_mem>>)
      %scan3A_139 = arith.constant 0 : i32
      scf.yield %scan3A_139 : i32
    }
    %scan3A_35 = arith.constant 19 : i32
    %dma_wait3A = arith.constant 0 : i32
    %dma_wait3A_36 = arith.constant 0 : i32
    %dma_wait3A_37 = arith.constant 0 : i32
    %dma_wait3A_38 = tpu.memref_slice %arg9[%dma_wait3A, %dma_wait3A_36, %dma_wait3A_37] : memref<2x128x128xf32, #tpu.memory_space<vmem>> -> memref<1x128x128xf32, #tpu.memory_space<vmem>>
    %dma_wait3A_39 = tpu.memref_squeeze %dma_wait3A_38 : memref<1x128x128xf32, #tpu.memory_space<vmem>> -> memref<128x128xf32, #tpu.memory_space<vmem>>
    %dma_wait3A_40 = arith.constant 0 : i32
    %dma_wait3A_41 = arith.constant 0 : i32
    %dma_wait3A_42 = tpu.memref_slice %arg2[%dma_wait3A_40, %dma_wait3A_41] : memref<10000x128xf32, #tpu.memory_space<hbm>> -> memref<128x128xf32, #tpu.memory_space<hbm>>
    %dma_wait3A_43 = arith.constant 0 : i32
    %dma_wait3A_44 = arith.constant 0 : i32
    %dma_wait3A_45 = tpu.memref_slice %arg9[%dma_wait3A, %dma_wait3A_43, %dma_wait3A_44] : memref<2x128x128xf32, #tpu.memory_space<vmem>> -> memref<1x128x128xf32, #tpu.memory_space<vmem>>
    %dma_wait3A_46 = tpu.memref_squeeze %dma_wait3A_45 : memref<1x128x128xf32, #tpu.memory_space<vmem>> -> memref<128x128xf32, #tpu.memory_space<vmem>>
    %dma_wait3A_47 = arith.constant 0 : i32
    %dma_wait3A_48 = arith.constant 0 : i32
    %dma_wait3A_49 = tpu.memref_slice %arg2[%dma_wait3A_47, %dma_wait3A_48] : memref<10000x128xf32, #tpu.memory_space<hbm>> -> memref<128x128xf32, #tpu.memory_space<hbm>>
    tpu.wait_dma2 semaphore(%arg11 : memref<!tpu.dma_semaphore, #tpu.memory_space<semaphore_mem>>) src(%dma_wait3A_49 : memref<128x128xf32, #tpu.memory_space<hbm>>) dst(%dma_wait3A_46 : memref<128x128xf32, #tpu.memory_space<vmem>>)
    %run_scoped3A = arith.constant 0 : i32
    %run_scoped3A_50 = arith.constant 38 : i32
    "tpu.region"() ({
      %run_scoped3A_69 = tpu.sem_alloc : memref<!tpu.dma_semaphore, #tpu.memory_space<semaphore_mem>>
      %dma_start3A_70 = arith.constant 0 : i32
      %dma_start3A_71 = arith.constant 0 : i32
      %dma_start3A_72 = tpu.memref_slice %arg9[%run_scoped3A, %dma_start3A_70, %dma_start3A_71] : memref<2x128x128xf32, #tpu.memory_space<vmem>> -> memref<1x128x128xf32, #tpu.memory_space<vmem>>
      %dma_start3A_73 = tpu.memref_squeeze %dma_start3A_72 : memref<1x128x128xf32, #tpu.memory_space<vmem>> -> memref<128x128xf32, #tpu.memory_space<vmem>>
      %dma_start3A_74 = arith.constant 0 : i32
      %dma_start3A_75 = tpu.memref_slice %arg8[%run_scoped3A_50, %dma_start3A_74] : memref<40x128xi32, #tpu.memory_space<vmem>> -> memref<1x128xi32, #tpu.memory_space<vmem>>
      %dma_start3A_76 = tpu.memref_squeeze %dma_start3A_75 : memref<1x128xi32, #tpu.memory_space<vmem>> -> memref<128xi32, #tpu.memory_space<vmem>>
      %dma_start3A_77 = arith.constant 0 : i32
      %dma_start3A_78 = arith.constant 0 : i32
      %dma_start3A_79 = tpu.memref_slice %arg10[%dma_start3A_77, %dma_start3A_78] : memref<10240x128xf32, #tpu.memory_space<vmem_shared>> -> memref<10240x128xf32, #tpu.memory_space<vmem_shared>>
      tpu.enqueue_indirect_dma source(%dma_start3A_73 : memref<128x128xf32, #tpu.memory_space<vmem>>) target(%dma_start3A_79 : memref<10240x128xf32, #tpu.memory_space<vmem_shared>>) offsets(%dma_start3A_76 : memref<128xi32, #tpu.memory_space<vmem>>) semaphore(%run_scoped3A_69 : memref<!tpu.dma_semaphore, #tpu.memory_space<semaphore_mem>>) {add = true}
      %dma_wait3A_80 = arith.constant 0 : i32
      %dma_wait3A_81 = arith.constant 0 : i32
      %dma_wait3A_82 = tpu.memref_slice %arg9[%run_scoped3A, %dma_wait3A_80, %dma_wait3A_81] : memref<2x128x128xf32, #tpu.memory_space<vmem>> -> memref<1x128x128xf32, #tpu.memory_space<vmem>>
      %dma_wait3A_83 = tpu.memref_squeeze %dma_wait3A_82 : memref<1x128x128xf32, #tpu.memory_space<vmem>> -> memref<128x128xf32, #tpu.memory_space<vmem>>
      %dma_wait3A_84 = arith.constant 0 : i32
      %dma_wait3A_85 = tpu.memref_slice %arg8[%run_scoped3A_50, %dma_wait3A_84] : memref<40x128xi32, #tpu.memory_space<vmem>> -> memref<1x128xi32, #tpu.memory_space<vmem>>
      %dma_wait3A_86 = tpu.memref_squeeze %dma_wait3A_85 : memref<1x128xi32, #tpu.memory_space<vmem>> -> memref<128xi32, #tpu.memory_space<vmem>>
      %dma_wait3A_87 = arith.constant 0 : i32
      %dma_wait3A_88 = arith.constant 0 : i32
      %dma_wait3A_89 = tpu.memref_slice %arg10[%dma_wait3A_87, %dma_wait3A_88] : memref<10240x128xf32, #tpu.memory_space<vmem_shared>> -> memref<10240x128xf32, #tpu.memory_space<vmem_shared>>
      tpu.wait_indirect_dma semaphore(%run_scoped3A_69 : memref<!tpu.dma_semaphore, #tpu.memory_space<semaphore_mem>>) src(%dma_wait3A_83 : memref<128x128xf32, #tpu.memory_space<vmem>>) dst(%dma_wait3A_89 : memref<10240x128xf32, #tpu.memory_space<vmem_shared>>)
      tpu.yield
    }) : () -> ()
    %dma_wait3A_51 = arith.constant 1 : i32
    %dma_wait3A_52 = arith.constant 0 : i32
    %dma_wait3A_53 = arith.constant 0 : i32
    %dma_wait3A_54 = tpu.memref_slice %arg9[%dma_wait3A_51, %dma_wait3A_52, %dma_wait3A_53] : memref<2x128x128xf32, #tpu.memory_space<vmem>> -> memref<1x128x128xf32, #tpu.memory_space<vmem>>
    %dma_wait3A_55 = tpu.memref_squeeze %dma_wait3A_54 : memref<1x128x128xf32, #tpu.memory_space<vmem>> -> memref<128x128xf32, #tpu.memory_space<vmem>>
    %dma_wait3A_56 = arith.constant 0 : i32
    %dma_wait3A_57 = arith.constant 0 : i32
    %dma_wait3A_58 = tpu.memref_slice %arg2[%dma_wait3A_56, %dma_wait3A_57] : memref<10000x128xf32, #tpu.memory_space<hbm>> -> memref<128x128xf32, #tpu.memory_space<hbm>>
    %dma_wait3A_59 = arith.constant 0 : i32
    %dma_wait3A_60 = arith.constant 0 : i32
    %dma_wait3A_61 = tpu.memref_slice %arg9[%dma_wait3A_51, %dma_wait3A_59, %dma_wait3A_60] : memref<2x128x128xf32, #tpu.memory_space<vmem>> -> memref<1x128x128xf32, #tpu.memory_space<vmem>>
    %dma_wait3A_62 = tpu.memref_squeeze %dma_wait3A_61 : memref<1x128x128xf32, #tpu.memory_space<vmem>> -> memref<128x128xf32, #tpu.memory_space<vmem>>
    %dma_wait3A_63 = arith.constant 0 : i32
    %dma_wait3A_64 = arith.constant 0 : i32
    %dma_wait3A_65 = tpu.memref_slice %arg2[%dma_wait3A_63, %dma_wait3A_64] : memref<10000x128xf32, #tpu.memory_space<hbm>> -> memref<128x128xf32, #tpu.memory_space<hbm>>
    tpu.wait_dma2 semaphore(%arg12 : memref<!tpu.dma_semaphore, #tpu.memory_space<semaphore_mem>>) src(%dma_wait3A_65 : memref<128x128xf32, #tpu.memory_space<hbm>>) dst(%dma_wait3A_62 : memref<128x128xf32, #tpu.memory_space<vmem>>)
    %run_scoped3A_66 = arith.constant 1 : i32
    %run_scoped3A_67 = arith.constant 39 : i32
    "tpu.region"() ({
      %run_scoped3A_69 = tpu.sem_alloc : memref<!tpu.dma_semaphore, #tpu.memory_space<semaphore_mem>>
      %dma_start3A_70 = arith.constant 0 : i32
      %dma_start3A_71 = arith.constant 0 : i32
      %dma_start3A_72 = tpu.memref_slice %arg9[%run_scoped3A_66, %dma_start3A_70, %dma_start3A_71] : memref<2x128x128xf32, #tpu.memory_space<vmem>> -> memref<1x128x128xf32, #tpu.memory_space<vmem>>
      %dma_start3A_73 = tpu.memref_squeeze %dma_start3A_72 : memref<1x128x128xf32, #tpu.memory_space<vmem>> -> memref<128x128xf32, #tpu.memory_space<vmem>>
      %dma_start3A_74 = arith.constant 0 : i32
      %dma_start3A_75 = tpu.memref_slice %arg8[%run_scoped3A_67, %dma_start3A_74] : memref<40x128xi32, #tpu.memory_space<vmem>> -> memref<1x128xi32, #tpu.memory_space<vmem>>
      %dma_start3A_76 = tpu.memref_squeeze %dma_start3A_75 : memref<1x128xi32, #tpu.memory_space<vmem>> -> memref<128xi32, #tpu.memory_space<vmem>>
      %dma_start3A_77 = arith.constant 0 : i32
      %dma_start3A_78 = arith.constant 0 : i32
      %dma_start3A_79 = tpu.memref_slice %arg10[%dma_start3A_77, %dma_start3A_78] : memref<10240x128xf32, #tpu.memory_space<vmem_shared>> -> memref<10240x128xf32, #tpu.memory_space<vmem_shared>>
      tpu.enqueue_indirect_dma source(%dma_start3A_73 : memref<128x128xf32, #tpu.memory_space<vmem>>) target(%dma_start3A_79 : memref<10240x128xf32, #tpu.memory_space<vmem_shared>>) offsets(%dma_start3A_76 : memref<128xi32, #tpu.memory_space<vmem>>) semaphore(%run_scoped3A_69 : memref<!tpu.dma_semaphore, #tpu.memory_space<semaphore_mem>>) {add = true}
      %dma_wait3A_80 = arith.constant 0 : i32
      %dma_wait3A_81 = arith.constant 0 : i32
      %dma_wait3A_82 = tpu.memref_slice %arg9[%run_scoped3A_66, %dma_wait3A_80, %dma_wait3A_81] : memref<2x128x128xf32, #tpu.memory_space<vmem>> -> memref<1x128x128xf32, #tpu.memory_space<vmem>>
      %dma_wait3A_83 = tpu.memref_squeeze %dma_wait3A_82 : memref<1x128x128xf32, #tpu.memory_space<vmem>> -> memref<128x128xf32, #tpu.memory_space<vmem>>
      %dma_wait3A_84 = arith.constant 0 : i32
      %dma_wait3A_85 = tpu.memref_slice %arg8[%run_scoped3A_67, %dma_wait3A_84] : memref<40x128xi32, #tpu.memory_space<vmem>> -> memref<1x128xi32, #tpu.memory_space<vmem>>
      %dma_wait3A_86 = tpu.memref_squeeze %dma_wait3A_85 : memref<1x128xi32, #tpu.memory_space<vmem>> -> memref<128xi32, #tpu.memory_space<vmem>>
      %dma_wait3A_87 = arith.constant 0 : i32
      %dma_wait3A_88 = arith.constant 0 : i32
      %dma_wait3A_89 = tpu.memref_slice %arg10[%dma_wait3A_87, %dma_wait3A_88] : memref<10240x128xf32, #tpu.memory_space<vmem_shared>> -> memref<10240x128xf32, #tpu.memory_space<vmem_shared>>
      tpu.wait_indirect_dma semaphore(%run_scoped3A_69 : memref<!tpu.dma_semaphore, #tpu.memory_space<semaphore_mem>>) src(%dma_wait3A_83 : memref<128x128xf32, #tpu.memory_space<vmem>>) dst(%dma_wait3A_89 : memref<10240x128xf32, #tpu.memory_space<vmem_shared>>)
      tpu.yield
    }) : () -> ()
    %barrier3A_68 = arith.constant 0 : index
    tpu.barrier barrier_id(%barrier3A_68)
    "tpu.region"() ({
      %run_scoped3A_69 = tpu.sem_alloc : memref<!tpu.dma_semaphore, #tpu.memory_space<semaphore_mem>>
      %dma_start3A_70 = arith.constant 0 : i32
      %dma_start3A_71 = tpu.memref_slice %arg6[%arg0, %multiple_of3A, %dma_start3A_70] : memref<2x10240x128xf32, #tpu.memory_space<hbm>> -> memref<1x640x128xf32, #tpu.memory_space<hbm>>
      %dma_start3A_72 = tpu.memref_squeeze %dma_start3A_71 : memref<1x640x128xf32, #tpu.memory_space<hbm>> -> memref<640x128xf32, #tpu.memory_space<hbm>>
      %dma_start3A_73 = arith.constant 0 : i32
      %dma_start3A_74 = tpu.memref_slice %arg10[%multiple_of3A, %dma_start3A_73] : memref<10240x128xf32, #tpu.memory_space<vmem_shared>> -> memref<640x128xf32, #tpu.memory_space<vmem_shared>>
      tpu.enqueue_dma source(%dma_start3A_74 : memref<640x128xf32, #tpu.memory_space<vmem_shared>>) target(%dma_start3A_72 : memref<640x128xf32, #tpu.memory_space<hbm>>) target_semaphore(%run_scoped3A_69 : memref<!tpu.dma_semaphore, #tpu.memory_space<semaphore_mem>>)
      %dma_wait3A_75 = arith.constant 0 : i32
      %dma_wait3A_76 = tpu.memref_slice %arg6[%arg0, %multiple_of3A, %dma_wait3A_75] : memref<2x10240x128xf32, #tpu.memory_space<hbm>> -> memref<1x640x128xf32, #tpu.memory_space<hbm>>
      %dma_wait3A_77 = tpu.memref_squeeze %dma_wait3A_76 : memref<1x640x128xf32, #tpu.memory_space<hbm>> -> memref<640x128xf32, #tpu.memory_space<hbm>>
      %dma_wait3A_78 = arith.constant 0 : i32
      %dma_wait3A_79 = tpu.memref_slice %arg10[%multiple_of3A, %dma_wait3A_78] : memref<10240x128xf32, #tpu.memory_space<vmem_shared>> -> memref<640x128xf32, #tpu.memory_space<vmem_shared>>
      tpu.wait_dma2 semaphore(%run_scoped3A_69 : memref<!tpu.dma_semaphore, #tpu.memory_space<semaphore_mem>>) src(%dma_wait3A_79 : memref<640x128xf32, #tpu.memory_space<vmem_shared>>) dst(%dma_wait3A_77 : memref<640x128xf32, #tpu.memory_space<hbm>>)
      tpu.yield
    }) : () -> ()
    return
  }
}

#map = affine_map<(d0, d1) -> (0, 0)>
#map1 = affine_map<(d0, d1) -> (0, 0, 0)>
module attributes {stable_mosaic.version = 14 : i64} {
  func.func @deg_kernel(%arg0: i32, %arg1: i32, %arg2: memref<1280x128xi32, #tpu.memory_space<hbm>>, %arg3: memref<128x128xf32, #tpu.memory_space<hbm>>, %arg4: memref<640x128xf32, #tpu.memory_space<hbm>>, %arg5: memref<2x10240x128xf32, #tpu.memory_space<hbm>>, %arg6: memref<40x128xi32, #tpu.memory_space<vmem>>, %arg7: memref<128x128xf32, #tpu.memory_space<vmem>>, %arg8: memref<10240x128xf32, #tpu.memory_space<vmem_shared>>) attributes {dimension_semantics = [#tpu.dimension_semantics<core_parallel>, #tpu.dimension_semantics<subcore_parallel>], iteration_bounds = array<i64: 2, 16>, scalar_prefetch = 0 : i64, scratch_operands = 3 : i64, tpu.core_type = #tpu.core_type<sc_vector_subcore>, window_params = [{transform_indices = #map}, {transform_indices = #map}, {transform_indices = #map}, {transform_indices = #map1}]} {
    %mul3A = arith.constant 2 : i32
    %mul3A_0 = arith.muli %arg1, %mul3A : i32
    %add3A = arith.addi %mul3A_0, %arg0 : i32
    %mul3A_1 = arith.constant 640 : i32
    %mul3A_2 = arith.muli %arg1, %mul3A_1 : i32
    %multiple_of3A = tpu.assume_multiple %mul3A_2, 8 : i32
    %mul3A_3 = arith.constant 40 : i32
    %mul3A_4 = arith.muli %add3A, %mul3A_3 : i32
    "tpu.region"() ({
      %run_scoped3A = tpu.sem_alloc : memref<!tpu.dma_semaphore, #tpu.memory_space<semaphore_mem>>
      %dma_start3A = arith.constant 0 : i32
      %dma_start3A_12 = tpu.memref_slice %arg2[%mul3A_4, %dma_start3A] : memref<1280x128xi32, #tpu.memory_space<hbm>> -> memref<40x128xi32, #tpu.memory_space<hbm>>
      %dma_start3A_13 = arith.constant 0 : i32
      %dma_start3A_14 = tpu.memref_slice %arg2[%mul3A_4, %dma_start3A_13] : memref<1280x128xi32, #tpu.memory_space<hbm>> -> memref<40x128xi32, #tpu.memory_space<hbm>>
      tpu.enqueue_dma source(%dma_start3A_14 : memref<40x128xi32, #tpu.memory_space<hbm>>) target(%arg6 : memref<40x128xi32, #tpu.memory_space<vmem>>) target_semaphore(%run_scoped3A : memref<!tpu.dma_semaphore, #tpu.memory_space<semaphore_mem>>)
      %dma_wait3A = arith.constant 0 : i32
      %dma_wait3A_15 = tpu.memref_slice %arg2[%mul3A_4, %dma_wait3A] : memref<1280x128xi32, #tpu.memory_space<hbm>> -> memref<40x128xi32, #tpu.memory_space<hbm>>
      %dma_wait3A_16 = arith.constant 0 : i32
      %dma_wait3A_17 = tpu.memref_slice %arg2[%mul3A_4, %dma_wait3A_16] : memref<1280x128xi32, #tpu.memory_space<hbm>> -> memref<40x128xi32, #tpu.memory_space<hbm>>
      tpu.wait_dma2 semaphore(%run_scoped3A : memref<!tpu.dma_semaphore, #tpu.memory_space<semaphore_mem>>) src(%dma_wait3A_17 : memref<40x128xi32, #tpu.memory_space<hbm>>) dst(%arg6 : memref<40x128xi32, #tpu.memory_space<vmem>>)
      tpu.yield
    }) : () -> ()
    "tpu.region"() ({
      %run_scoped3A = tpu.sem_alloc : memref<!tpu.dma_semaphore, #tpu.memory_space<semaphore_mem>>
      tpu.enqueue_dma source(%arg3 : memref<128x128xf32, #tpu.memory_space<hbm>>) target(%arg7 : memref<128x128xf32, #tpu.memory_space<vmem>>) target_semaphore(%run_scoped3A : memref<!tpu.dma_semaphore, #tpu.memory_space<semaphore_mem>>)
      tpu.wait_dma2 semaphore(%run_scoped3A : memref<!tpu.dma_semaphore, #tpu.memory_space<semaphore_mem>>) src(%arg3 : memref<128x128xf32, #tpu.memory_space<hbm>>) dst(%arg7 : memref<128x128xf32, #tpu.memory_space<vmem>>)
      tpu.yield
    }) : () -> ()
    "tpu.region"() ({
      %run_scoped3A = tpu.sem_alloc : memref<!tpu.dma_semaphore, #tpu.memory_space<semaphore_mem>>
      %dma_start3A = arith.constant 0 : i32
      %dma_start3A_12 = tpu.memref_slice %arg8[%multiple_of3A, %dma_start3A] : memref<10240x128xf32, #tpu.memory_space<vmem_shared>> -> memref<640x128xf32, #tpu.memory_space<vmem_shared>>
      tpu.enqueue_dma source(%arg4 : memref<640x128xf32, #tpu.memory_space<hbm>>) target(%dma_start3A_12 : memref<640x128xf32, #tpu.memory_space<vmem_shared>>) target_semaphore(%run_scoped3A : memref<!tpu.dma_semaphore, #tpu.memory_space<semaphore_mem>>)
      %dma_wait3A = arith.constant 0 : i32
      %dma_wait3A_13 = tpu.memref_slice %arg8[%multiple_of3A, %dma_wait3A] : memref<10240x128xf32, #tpu.memory_space<vmem_shared>> -> memref<640x128xf32, #tpu.memory_space<vmem_shared>>
      tpu.wait_dma2 semaphore(%run_scoped3A : memref<!tpu.dma_semaphore, #tpu.memory_space<semaphore_mem>>) src(%arg4 : memref<640x128xf32, #tpu.memory_space<hbm>>) dst(%dma_wait3A_13 : memref<640x128xf32, #tpu.memory_space<vmem_shared>>)
      tpu.yield
    }) : () -> ()
    %barrier3A = arith.constant 0 : index
    tpu.barrier barrier_id(%barrier3A)
    %scan3A = arith.constant 0 : i32
    %scan3A_5 = arith.constant 0 : i32
    %scan3A_6 = arith.constant 40 : i32
    %scan3A_7 = arith.addi %scan3A_5, %scan3A_6 : i32
    %scan3A_8 = arith.constant 1 : i32
    %scan3A_9 = scf.for %scan3A_12 = %scan3A_5 to %scan3A_7 step %scan3A_8 iter_args(%scan3A_13 = %scan3A) -> (i32)  : i32 {
      "tpu.region"() ({
        %run_scoped3A = tpu.sem_alloc : memref<!tpu.dma_semaphore, #tpu.memory_space<semaphore_mem>>
        %dma_start3A = arith.constant 0 : i32
        %dma_start3A_15 = tpu.memref_slice %arg6[%scan3A_12, %dma_start3A] : memref<40x128xi32, #tpu.memory_space<vmem>> -> memref<1x128xi32, #tpu.memory_space<vmem>>
        %dma_start3A_16 = tpu.memref_squeeze %dma_start3A_15 : memref<1x128xi32, #tpu.memory_space<vmem>> -> memref<128xi32, #tpu.memory_space<vmem>>
        %dma_start3A_17 = arith.constant 0 : i32
        %dma_start3A_18 = arith.constant 0 : i32
        %dma_start3A_19 = tpu.memref_slice %arg8[%dma_start3A_17, %dma_start3A_18] : memref<10240x128xf32, #tpu.memory_space<vmem_shared>> -> memref<10240x128xf32, #tpu.memory_space<vmem_shared>>
        tpu.enqueue_indirect_dma source(%arg7 : memref<128x128xf32, #tpu.memory_space<vmem>>) target(%dma_start3A_19 : memref<10240x128xf32, #tpu.memory_space<vmem_shared>>) offsets(%dma_start3A_16 : memref<128xi32, #tpu.memory_space<vmem>>) semaphore(%run_scoped3A : memref<!tpu.dma_semaphore, #tpu.memory_space<semaphore_mem>>) {add = true}
        %dma_wait3A = arith.constant 0 : i32
        %dma_wait3A_20 = tpu.memref_slice %arg6[%scan3A_12, %dma_wait3A] : memref<40x128xi32, #tpu.memory_space<vmem>> -> memref<1x128xi32, #tpu.memory_space<vmem>>
        %dma_wait3A_21 = tpu.memref_squeeze %dma_wait3A_20 : memref<1x128xi32, #tpu.memory_space<vmem>> -> memref<128xi32, #tpu.memory_space<vmem>>
        %dma_wait3A_22 = arith.constant 0 : i32
        %dma_wait3A_23 = arith.constant 0 : i32
        %dma_wait3A_24 = tpu.memref_slice %arg8[%dma_wait3A_22, %dma_wait3A_23] : memref<10240x128xf32, #tpu.memory_space<vmem_shared>> -> memref<10240x128xf32, #tpu.memory_space<vmem_shared>>
        tpu.wait_indirect_dma semaphore(%run_scoped3A : memref<!tpu.dma_semaphore, #tpu.memory_space<semaphore_mem>>) src(%arg7 : memref<128x128xf32, #tpu.memory_space<vmem>>) dst(%dma_wait3A_24 : memref<10240x128xf32, #tpu.memory_space<vmem_shared>>)
        tpu.yield
      }) : () -> ()
      %scan3A_14 = arith.constant 0 : i32
      scf.yield %scan3A_14 : i32
    }
    %scan3A_10 = arith.constant 40 : i32
    %barrier3A_11 = arith.constant 0 : index
    tpu.barrier barrier_id(%barrier3A_11)
    "tpu.region"() ({
      %run_scoped3A = tpu.sem_alloc : memref<!tpu.dma_semaphore, #tpu.memory_space<semaphore_mem>>
      %dma_start3A = arith.constant 0 : i32
      %dma_start3A_12 = tpu.memref_slice %arg5[%arg0, %multiple_of3A, %dma_start3A] : memref<2x10240x128xf32, #tpu.memory_space<hbm>> -> memref<1x640x128xf32, #tpu.memory_space<hbm>>
      %dma_start3A_13 = tpu.memref_squeeze %dma_start3A_12 : memref<1x640x128xf32, #tpu.memory_space<hbm>> -> memref<640x128xf32, #tpu.memory_space<hbm>>
      %dma_start3A_14 = arith.constant 0 : i32
      %dma_start3A_15 = tpu.memref_slice %arg8[%multiple_of3A, %dma_start3A_14] : memref<10240x128xf32, #tpu.memory_space<vmem_shared>> -> memref<640x128xf32, #tpu.memory_space<vmem_shared>>
      tpu.enqueue_dma source(%dma_start3A_15 : memref<640x128xf32, #tpu.memory_space<vmem_shared>>) target(%dma_start3A_13 : memref<640x128xf32, #tpu.memory_space<hbm>>) target_semaphore(%run_scoped3A : memref<!tpu.dma_semaphore, #tpu.memory_space<semaphore_mem>>)
      %dma_wait3A = arith.constant 0 : i32
      %dma_wait3A_16 = tpu.memref_slice %arg5[%arg0, %multiple_of3A, %dma_wait3A] : memref<2x10240x128xf32, #tpu.memory_space<hbm>> -> memref<1x640x128xf32, #tpu.memory_space<hbm>>
      %dma_wait3A_17 = tpu.memref_squeeze %dma_wait3A_16 : memref<1x640x128xf32, #tpu.memory_space<hbm>> -> memref<640x128xf32, #tpu.memory_space<hbm>>
      %dma_wait3A_18 = arith.constant 0 : i32
      %dma_wait3A_19 = tpu.memref_slice %arg8[%multiple_of3A, %dma_wait3A_18] : memref<10240x128xf32, #tpu.memory_space<vmem_shared>> -> memref<640x128xf32, #tpu.memory_space<vmem_shared>>
      tpu.wait_dma2 semaphore(%run_scoped3A : memref<!tpu.dma_semaphore, #tpu.memory_space<semaphore_mem>>) src(%dma_wait3A_19 : memref<640x128xf32, #tpu.memory_space<vmem_shared>>) dst(%dma_wait3A_17 : memref<640x128xf32, #tpu.memory_space<hbm>>)
      tpu.yield
    }) : () -> ()
    return
  }
}

#map = affine_map<(d0, d1) -> (0, 0)>
#map1 = affine_map<(d0, d1) -> (0, 0, 0)>
module attributes {stable_mosaic.version = 14 : i64} {
  func.func @agg_kernel(%arg0: i32, %arg1: i32, %arg2: memref<10000x128xf32, #tpu.memory_space<hbm>>, %arg3: memref<1280x128xi32, #tpu.memory_space<hbm>>, %arg4: memref<1280x128xi32, #tpu.memory_space<hbm>>, %arg5: memref<640x128xf32, #tpu.memory_space<hbm>>, %arg6: memref<2x10240x128xf32, #tpu.memory_space<hbm>>, %arg7: memref<40x128xi32, #tpu.memory_space<vmem>>, %arg8: memref<40x128xi32, #tpu.memory_space<vmem>>, %arg9: memref<2x128x128xf32, #tpu.memory_space<vmem>>, %arg10: memref<10240x128xf32, #tpu.memory_space<vmem_shared>>, %arg11: memref<!tpu.dma_semaphore, #tpu.memory_space<semaphore_mem>>, %arg12: memref<!tpu.dma_semaphore, #tpu.memory_space<semaphore_mem>>) attributes {dimension_semantics = [#tpu.dimension_semantics<core_parallel>, #tpu.dimension_semantics<subcore_parallel>], iteration_bounds = array<i64: 2, 16>, scalar_prefetch = 0 : i64, scratch_operands = 6 : i64, tpu.core_type = #tpu.core_type<sc_vector_subcore>, window_params = [{transform_indices = #map}, {transform_indices = #map}, {transform_indices = #map}, {transform_indices = #map}, {transform_indices = #map1}]} {
    %mul3A = arith.constant 16 : i32
    %mul3A_0 = arith.muli %arg0, %mul3A : i32
    %add3A = arith.addi %mul3A_0, %arg1 : i32
    %mul3A_1 = arith.constant 640 : i32
    %mul3A_2 = arith.muli %arg1, %mul3A_1 : i32
    %multiple_of3A = tpu.assume_multiple %mul3A_2, 8 : i32
    %mul3A_3 = arith.constant 40 : i32
    %mul3A_4 = arith.muli %add3A, %mul3A_3 : i32
    "tpu.region"() ({
      %run_scoped3A_69 = tpu.sem_alloc : memref<!tpu.dma_semaphore, #tpu.memory_space<semaphore_mem>>
      %dma_start3A_70 = arith.constant 0 : i32
      %dma_start3A_71 = tpu.memref_slice %arg3[%mul3A_4, %dma_start3A_70] : memref<1280x128xi32, #tpu.memory_space<hbm>> -> memref<40x128xi32, #tpu.memory_space<hbm>>
      %dma_start3A_72 = arith.constant 0 : i32
      %dma_start3A_73 = tpu.memref_slice %arg3[%mul3A_4, %dma_start3A_72] : memref<1280x128xi32, #tpu.memory_space<hbm>> -> memref<40x128xi32, #tpu.memory_space<hbm>>
      tpu.enqueue_dma source(%dma_start3A_73 : memref<40x128xi32, #tpu.memory_space<hbm>>) target(%arg7 : memref<40x128xi32, #tpu.memory_space<vmem>>) target_semaphore(%run_scoped3A_69 : memref<!tpu.dma_semaphore, #tpu.memory_space<semaphore_mem>>)
      %dma_wait3A_74 = arith.constant 0 : i32
      %dma_wait3A_75 = tpu.memref_slice %arg3[%mul3A_4, %dma_wait3A_74] : memref<1280x128xi32, #tpu.memory_space<hbm>> -> memref<40x128xi32, #tpu.memory_space<hbm>>
      %dma_wait3A_76 = arith.constant 0 : i32
      %dma_wait3A_77 = tpu.memref_slice %arg3[%mul3A_4, %dma_wait3A_76] : memref<1280x128xi32, #tpu.memory_space<hbm>> -> memref<40x128xi32, #tpu.memory_space<hbm>>
      tpu.wait_dma2 semaphore(%run_scoped3A_69 : memref<!tpu.dma_semaphore, #tpu.memory_space<semaphore_mem>>) src(%dma_wait3A_77 : memref<40x128xi32, #tpu.memory_space<hbm>>) dst(%arg7 : memref<40x128xi32, #tpu.memory_space<vmem>>)
      tpu.yield
    }) : () -> ()
    %mul3A_5 = arith.constant 40 : i32
    %mul3A_6 = arith.muli %add3A, %mul3A_5 : i32
    "tpu.region"() ({
      %run_scoped3A_69 = tpu.sem_alloc : memref<!tpu.dma_semaphore, #tpu.memory_space<semaphore_mem>>
      %dma_start3A_70 = arith.constant 0 : i32
      %dma_start3A_71 = tpu.memref_slice %arg4[%mul3A_6, %dma_start3A_70] : memref<1280x128xi32, #tpu.memory_space<hbm>> -> memref<40x128xi32, #tpu.memory_space<hbm>>
      %dma_start3A_72 = arith.constant 0 : i32
      %dma_start3A_73 = tpu.memref_slice %arg4[%mul3A_6, %dma_start3A_72] : memref<1280x128xi32, #tpu.memory_space<hbm>> -> memref<40x128xi32, #tpu.memory_space<hbm>>
      tpu.enqueue_dma source(%dma_start3A_73 : memref<40x128xi32, #tpu.memory_space<hbm>>) target(%arg8 : memref<40x128xi32, #tpu.memory_space<vmem>>) target_semaphore(%run_scoped3A_69 : memref<!tpu.dma_semaphore, #tpu.memory_space<semaphore_mem>>)
      %dma_wait3A_74 = arith.constant 0 : i32
      %dma_wait3A_75 = tpu.memref_slice %arg4[%mul3A_6, %dma_wait3A_74] : memref<1280x128xi32, #tpu.memory_space<hbm>> -> memref<40x128xi32, #tpu.memory_space<hbm>>
      %dma_wait3A_76 = arith.constant 0 : i32
      %dma_wait3A_77 = tpu.memref_slice %arg4[%mul3A_6, %dma_wait3A_76] : memref<1280x128xi32, #tpu.memory_space<hbm>> -> memref<40x128xi32, #tpu.memory_space<hbm>>
      tpu.wait_dma2 semaphore(%run_scoped3A_69 : memref<!tpu.dma_semaphore, #tpu.memory_space<semaphore_mem>>) src(%dma_wait3A_77 : memref<40x128xi32, #tpu.memory_space<hbm>>) dst(%arg8 : memref<40x128xi32, #tpu.memory_space<vmem>>)
      tpu.yield
    }) : () -> ()
    %dma_start3A = arith.constant 0 : i32
    %dma_start3A_7 = arith.constant 0 : i32
    %dma_start3A_8 = arith.constant 0 : i32
    %dma_start3A_9 = arith.constant 0 : i32
    %dma_start3A_10 = tpu.memref_slice %arg9[%dma_start3A_7, %dma_start3A_8, %dma_start3A_9] : memref<2x128x128xf32, #tpu.memory_space<vmem>> -> memref<1x128x128xf32, #tpu.memory_space<vmem>>
    %dma_start3A_11 = tpu.memref_squeeze %dma_start3A_10 : memref<1x128x128xf32, #tpu.memory_space<vmem>> -> memref<128x128xf32, #tpu.memory_space<vmem>>
    %dma_start3A_12 = arith.constant 0 : i32
    %dma_start3A_13 = tpu.memref_slice %arg7[%dma_start3A, %dma_start3A_12] : memref<40x128xi32, #tpu.memory_space<vmem>> -> memref<1x128xi32, #tpu.memory_space<vmem>>
    %dma_start3A_14 = tpu.memref_squeeze %dma_start3A_13 : memref<1x128xi32, #tpu.memory_space<vmem>> -> memref<128xi32, #tpu.memory_space<vmem>>
    %dma_start3A_15 = arith.constant 0 : i32
    %dma_start3A_16 = arith.constant 0 : i32
    %dma_start3A_17 = tpu.memref_slice %arg2[%dma_start3A_15, %dma_start3A_16] : memref<10000x128xf32, #tpu.memory_space<hbm>> -> memref<10000x128xf32, #tpu.memory_space<hbm>>
    tpu.enqueue_indirect_dma source(%dma_start3A_17 : memref<10000x128xf32, #tpu.memory_space<hbm>>) target(%dma_start3A_11 : memref<128x128xf32, #tpu.memory_space<vmem>>) offsets(%dma_start3A_14 : memref<128xi32, #tpu.memory_space<vmem>>) semaphore(%arg11 : memref<!tpu.dma_semaphore, #tpu.memory_space<semaphore_mem>>)
    %dma_start3A_18 = arith.constant 1 : i32
    %dma_start3A_19 = arith.constant 1 : i32
    %dma_start3A_20 = arith.constant 0 : i32
    %dma_start3A_21 = arith.constant 0 : i32
    %dma_start3A_22 = tpu.memref_slice %arg9[%dma_start3A_19, %dma_start3A_20, %dma_start3A_21] : memref<2x128x128xf32, #tpu.memory_space<vmem>> -> memref<1x128x128xf32, #tpu.memory_space<vmem>>
    %dma_start3A_23 = tpu.memref_squeeze %dma_start3A_22 : memref<1x128x128xf32, #tpu.memory_space<vmem>> -> memref<128x128xf32, #tpu.memory_space<vmem>>
    %dma_start3A_24 = arith.constant 0 : i32
    %dma_start3A_25 = tpu.memref_slice %arg7[%dma_start3A_18, %dma_start3A_24] : memref<40x128xi32, #tpu.memory_space<vmem>> -> memref<1x128xi32, #tpu.memory_space<vmem>>
    %dma_start3A_26 = tpu.memref_squeeze %dma_start3A_25 : memref<1x128xi32, #tpu.memory_space<vmem>> -> memref<128xi32, #tpu.memory_space<vmem>>
    %dma_start3A_27 = arith.constant 0 : i32
    %dma_start3A_28 = arith.constant 0 : i32
    %dma_start3A_29 = tpu.memref_slice %arg2[%dma_start3A_27, %dma_start3A_28] : memref<10000x128xf32, #tpu.memory_space<hbm>> -> memref<10000x128xf32, #tpu.memory_space<hbm>>
    tpu.enqueue_indirect_dma source(%dma_start3A_29 : memref<10000x128xf32, #tpu.memory_space<hbm>>) target(%dma_start3A_23 : memref<128x128xf32, #tpu.memory_space<vmem>>) offsets(%dma_start3A_26 : memref<128xi32, #tpu.memory_space<vmem>>) semaphore(%arg12 : memref<!tpu.dma_semaphore, #tpu.memory_space<semaphore_mem>>)
    "tpu.region"() ({
      %run_scoped3A_69 = tpu.sem_alloc : memref<!tpu.dma_semaphore, #tpu.memory_space<semaphore_mem>>
      %dma_start3A_70 = arith.constant 0 : i32
      %dma_start3A_71 = tpu.memref_slice %arg10[%multiple_of3A, %dma_start3A_70] : memref<10240x128xf32, #tpu.memory_space<vmem_shared>> -> memref<640x128xf32, #tpu.memory_space<vmem_shared>>
      tpu.enqueue_dma source(%arg5 : memref<640x128xf32, #tpu.memory_space<hbm>>) target(%dma_start3A_71 : memref<640x128xf32, #tpu.memory_space<vmem_shared>>) target_semaphore(%run_scoped3A_69 : memref<!tpu.dma_semaphore, #tpu.memory_space<semaphore_mem>>)
      %dma_wait3A_72 = arith.constant 0 : i32
      %dma_wait3A_73 = tpu.memref_slice %arg10[%multiple_of3A, %dma_wait3A_72] : memref<10240x128xf32, #tpu.memory_space<vmem_shared>> -> memref<640x128xf32, #tpu.memory_space<vmem_shared>>
      tpu.wait_dma2 semaphore(%run_scoped3A_69 : memref<!tpu.dma_semaphore, #tpu.memory_space<semaphore_mem>>) src(%arg5 : memref<640x128xf32, #tpu.memory_space<hbm>>) dst(%dma_wait3A_73 : memref<640x128xf32, #tpu.memory_space<vmem_shared>>)
      tpu.yield
    }) : () -> ()
    %barrier3A = arith.constant 0 : index
    tpu.barrier barrier_id(%barrier3A)
    %scan3A = arith.constant 0 : i32
    %scan3A_30 = arith.constant 0 : i32
    %scan3A_31 = arith.constant 19 : i32
    %scan3A_32 = arith.addi %scan3A_30, %scan3A_31 : i32
    %scan3A_33 = arith.constant 1 : i32
    %scan3A_34 = scf.for %scan3A_69 = %scan3A_30 to %scan3A_32 step %scan3A_33 iter_args(%scan3A_70 = %scan3A) -> (i32)  : i32 {
      %mul3A_71 = arith.constant 2 : i32
      %mul3A_72 = arith.muli %scan3A_69, %mul3A_71 : i32
      %add3A_73 = arith.constant 0 : i32
      %add3A_74 = arith.addi %mul3A_72, %add3A_73 : i32
      %dma_wait3A_75 = arith.constant 0 : i32
      %dma_wait3A_76 = arith.constant 0 : i32
      %dma_wait3A_77 = arith.constant 0 : i32
      %dma_wait3A_78 = tpu.memref_slice %arg9[%dma_wait3A_75, %dma_wait3A_76, %dma_wait3A_77] : memref<2x128x128xf32, #tpu.memory_space<vmem>> -> memref<1x128x128xf32, #tpu.memory_space<vmem>>
      %dma_wait3A_79 = tpu.memref_squeeze %dma_wait3A_78 : memref<1x128x128xf32, #tpu.memory_space<vmem>> -> memref<128x128xf32, #tpu.memory_space<vmem>>
      %dma_wait3A_80 = arith.constant 0 : i32
      %dma_wait3A_81 = arith.constant 0 : i32
      %dma_wait3A_82 = tpu.memref_slice %arg2[%dma_wait3A_80, %dma_wait3A_81] : memref<10000x128xf32, #tpu.memory_space<hbm>> -> memref<128x128xf32, #tpu.memory_space<hbm>>
      %dma_wait3A_83 = arith.constant 0 : i32
      %dma_wait3A_84 = arith.constant 0 : i32
      %dma_wait3A_85 = tpu.memref_slice %arg9[%dma_wait3A_75, %dma_wait3A_83, %dma_wait3A_84] : memref<2x128x128xf32, #tpu.memory_space<vmem>> -> memref<1x128x128xf32, #tpu.memory_space<vmem>>
      %dma_wait3A_86 = tpu.memref_squeeze %dma_wait3A_85 : memref<1x128x128xf32, #tpu.memory_space<vmem>> -> memref<128x128xf32, #tpu.memory_space<vmem>>
      %dma_wait3A_87 = arith.constant 0 : i32
      %dma_wait3A_88 = arith.constant 0 : i32
      %dma_wait3A_89 = tpu.memref_slice %arg2[%dma_wait3A_87, %dma_wait3A_88] : memref<10000x128xf32, #tpu.memory_space<hbm>> -> memref<128x128xf32, #tpu.memory_space<hbm>>
      tpu.wait_dma2 semaphore(%arg11 : memref<!tpu.dma_semaphore, #tpu.memory_space<semaphore_mem>>) src(%dma_wait3A_89 : memref<128x128xf32, #tpu.memory_space<hbm>>) dst(%dma_wait3A_86 : memref<128x128xf32, #tpu.memory_space<vmem>>)
      %run_scoped3A_90 = arith.constant 0 : i32
      "tpu.region"() ({
        %run_scoped3A_140 = tpu.sem_alloc : memref<!tpu.dma_semaphore, #tpu.memory_space<semaphore_mem>>
        %dma_start3A_141 = arith.constant 0 : i32
        %dma_start3A_142 = arith.constant 0 : i32
        %dma_start3A_143 = tpu.memref_slice %arg9[%run_scoped3A_90, %dma_start3A_141, %dma_start3A_142] : memref<2x128x128xf32, #tpu.memory_space<vmem>> -> memref<1x128x128xf32, #tpu.memory_space<vmem>>
        %dma_start3A_144 = tpu.memref_squeeze %dma_start3A_143 : memref<1x128x128xf32, #tpu.memory_space<vmem>> -> memref<128x128xf32, #tpu.memory_space<vmem>>
        %dma_start3A_145 = arith.constant 0 : i32
        %dma_start3A_146 = tpu.memref_slice %arg8[%add3A_74, %dma_start3A_145] : memref<40x128xi32, #tpu.memory_space<vmem>> -> memref<1x128xi32, #tpu.memory_space<vmem>>
        %dma_start3A_147 = tpu.memref_squeeze %dma_start3A_146 : memref<1x128xi32, #tpu.memory_space<vmem>> -> memref<128xi32, #tpu.memory_space<vmem>>
        %dma_start3A_148 = arith.constant 0 : i32
        %dma_start3A_149 = arith.constant 0 : i32
        %dma_start3A_150 = tpu.memref_slice %arg10[%dma_start3A_148, %dma_start3A_149] : memref<10240x128xf32, #tpu.memory_space<vmem_shared>> -> memref<10240x128xf32, #tpu.memory_space<vmem_shared>>
        tpu.enqueue_indirect_dma source(%dma_start3A_144 : memref<128x128xf32, #tpu.memory_space<vmem>>) target(%dma_start3A_150 : memref<10240x128xf32, #tpu.memory_space<vmem_shared>>) offsets(%dma_start3A_147 : memref<128xi32, #tpu.memory_space<vmem>>) semaphore(%run_scoped3A_140 : memref<!tpu.dma_semaphore, #tpu.memory_space<semaphore_mem>>) {add = true}
        %dma_wait3A_151 = arith.constant 0 : i32
        %dma_wait3A_152 = arith.constant 0 : i32
        %dma_wait3A_153 = tpu.memref_slice %arg9[%run_scoped3A_90, %dma_wait3A_151, %dma_wait3A_152] : memref<2x128x128xf32, #tpu.memory_space<vmem>> -> memref<1x128x128xf32, #tpu.memory_space<vmem>>
        %dma_wait3A_154 = tpu.memref_squeeze %dma_wait3A_153 : memref<1x128x128xf32, #tpu.memory_space<vmem>> -> memref<128x128xf32, #tpu.memory_space<vmem>>
        %dma_wait3A_155 = arith.constant 0 : i32
        %dma_wait3A_156 = tpu.memref_slice %arg8[%add3A_74, %dma_wait3A_155] : memref<40x128xi32, #tpu.memory_space<vmem>> -> memref<1x128xi32, #tpu.memory_space<vmem>>
        %dma_wait3A_157 = tpu.memref_squeeze %dma_wait3A_156 : memref<1x128xi32, #tpu.memory_space<vmem>> -> memref<128xi32, #tpu.memory_space<vmem>>
        %dma_wait3A_158 = arith.constant 0 : i32
        %dma_wait3A_159 = arith.constant 0 : i32
        %dma_wait3A_160 = tpu.memref_slice %arg10[%dma_wait3A_158, %dma_wait3A_159] : memref<10240x128xf32, #tpu.memory_space<vmem_shared>> -> memref<10240x128xf32, #tpu.memory_space<vmem_shared>>
        tpu.wait_indirect_dma semaphore(%run_scoped3A_140 : memref<!tpu.dma_semaphore, #tpu.memory_space<semaphore_mem>>) src(%dma_wait3A_154 : memref<128x128xf32, #tpu.memory_space<vmem>>) dst(%dma_wait3A_160 : memref<10240x128xf32, #tpu.memory_space<vmem_shared>>)
        tpu.yield
      }) : () -> ()
      %add3A_91 = arith.constant 0 : i32
      %add3A_92 = arith.addi %mul3A_72, %add3A_91 : i32
      %add3A_93 = arith.constant 2 : i32
      %add3A_94 = arith.addi %add3A_92, %add3A_93 : i32
      %dma_start3A_95 = arith.constant 0 : i32
      %dma_start3A_96 = arith.constant 0 : i32
      %dma_start3A_97 = arith.constant 0 : i32
      %dma_start3A_98 = tpu.memref_slice %arg9[%dma_start3A_95, %dma_start3A_96, %dma_start3A_97] : memref<2x128x128xf32, #tpu.memory_space<vmem>> -> memref<1x128x128xf32, #tpu.memory_space<vmem>>
      %dma_start3A_99 = tpu.memref_squeeze %dma_start3A_98 : memref<1x128x128xf32, #tpu.memory_space<vmem>> -> memref<128x128xf32, #tpu.memory_space<vmem>>
      %dma_start3A_100 = arith.constant 0 : i32
      %dma_start3A_101 = tpu.memref_slice %arg7[%add3A_94, %dma_start3A_100] : memref<40x128xi32, #tpu.memory_space<vmem>> -> memref<1x128xi32, #tpu.memory_space<vmem>>
      %dma_start3A_102 = tpu.memref_squeeze %dma_start3A_101 : memref<1x128xi32, #tpu.memory_space<vmem>> -> memref<128xi32, #tpu.memory_space<vmem>>
      %dma_start3A_103 = arith.constant 0 : i32
      %dma_start3A_104 = arith.constant 0 : i32
      %dma_start3A_105 = tpu.memref_slice %arg2[%dma_start3A_103, %dma_start3A_104] : memref<10000x128xf32, #tpu.memory_space<hbm>> -> memref<10000x128xf32, #tpu.memory_space<hbm>>
      tpu.enqueue_indirect_dma source(%dma_start3A_105 : memref<10000x128xf32, #tpu.memory_space<hbm>>) target(%dma_start3A_99 : memref<128x128xf32, #tpu.memory_space<vmem>>) offsets(%dma_start3A_102 : memref<128xi32, #tpu.memory_space<vmem>>) semaphore(%arg11 : memref<!tpu.dma_semaphore, #tpu.memory_space<semaphore_mem>>)
      %add3A_106 = arith.constant 1 : i32
      %add3A_107 = arith.addi %mul3A_72, %add3A_106 : i32
      %dma_wait3A_108 = arith.constant 1 : i32
      %dma_wait3A_109 = arith.constant 0 : i32
      %dma_wait3A_110 = arith.constant 0 : i32
      %dma_wait3A_111 = tpu.memref_slice %arg9[%dma_wait3A_108, %dma_wait3A_109, %dma_wait3A_110] : memref<2x128x128xf32, #tpu.memory_space<vmem>> -> memref<1x128x128xf32, #tpu.memory_space<vmem>>
      %dma_wait3A_112 = tpu.memref_squeeze %dma_wait3A_111 : memref<1x128x128xf32, #tpu.memory_space<vmem>> -> memref<128x128xf32, #tpu.memory_space<vmem>>
      %dma_wait3A_113 = arith.constant 0 : i32
      %dma_wait3A_114 = arith.constant 0 : i32
      %dma_wait3A_115 = tpu.memref_slice %arg2[%dma_wait3A_113, %dma_wait3A_114] : memref<10000x128xf32, #tpu.memory_space<hbm>> -> memref<128x128xf32, #tpu.memory_space<hbm>>
      %dma_wait3A_116 = arith.constant 0 : i32
      %dma_wait3A_117 = arith.constant 0 : i32
      %dma_wait3A_118 = tpu.memref_slice %arg9[%dma_wait3A_108, %dma_wait3A_116, %dma_wait3A_117] : memref<2x128x128xf32, #tpu.memory_space<vmem>> -> memref<1x128x128xf32, #tpu.memory_space<vmem>>
      %dma_wait3A_119 = tpu.memref_squeeze %dma_wait3A_118 : memref<1x128x128xf32, #tpu.memory_space<vmem>> -> memref<128x128xf32, #tpu.memory_space<vmem>>
      %dma_wait3A_120 = arith.constant 0 : i32
      %dma_wait3A_121 = arith.constant 0 : i32
      %dma_wait3A_122 = tpu.memref_slice %arg2[%dma_wait3A_120, %dma_wait3A_121] : memref<10000x128xf32, #tpu.memory_space<hbm>> -> memref<128x128xf32, #tpu.memory_space<hbm>>
      tpu.wait_dma2 semaphore(%arg12 : memref<!tpu.dma_semaphore, #tpu.memory_space<semaphore_mem>>) src(%dma_wait3A_122 : memref<128x128xf32, #tpu.memory_space<hbm>>) dst(%dma_wait3A_119 : memref<128x128xf32, #tpu.memory_space<vmem>>)
      %run_scoped3A_123 = arith.constant 1 : i32
      "tpu.region"() ({
        %run_scoped3A_140 = tpu.sem_alloc : memref<!tpu.dma_semaphore, #tpu.memory_space<semaphore_mem>>
        %dma_start3A_141 = arith.constant 0 : i32
        %dma_start3A_142 = arith.constant 0 : i32
        %dma_start3A_143 = tpu.memref_slice %arg9[%run_scoped3A_123, %dma_start3A_141, %dma_start3A_142] : memref<2x128x128xf32, #tpu.memory_space<vmem>> -> memref<1x128x128xf32, #tpu.memory_space<vmem>>
        %dma_start3A_144 = tpu.memref_squeeze %dma_start3A_143 : memref<1x128x128xf32, #tpu.memory_space<vmem>> -> memref<128x128xf32, #tpu.memory_space<vmem>>
        %dma_start3A_145 = arith.constant 0 : i32
        %dma_start3A_146 = tpu.memref_slice %arg8[%add3A_107, %dma_start3A_145] : memref<40x128xi32, #tpu.memory_space<vmem>> -> memref<1x128xi32, #tpu.memory_space<vmem>>
        %dma_start3A_147 = tpu.memref_squeeze %dma_start3A_146 : memref<1x128xi32, #tpu.memory_space<vmem>> -> memref<128xi32, #tpu.memory_space<vmem>>
        %dma_start3A_148 = arith.constant 0 : i32
        %dma_start3A_149 = arith.constant 0 : i32
        %dma_start3A_150 = tpu.memref_slice %arg10[%dma_start3A_148, %dma_start3A_149] : memref<10240x128xf32, #tpu.memory_space<vmem_shared>> -> memref<10240x128xf32, #tpu.memory_space<vmem_shared>>
        tpu.enqueue_indirect_dma source(%dma_start3A_144 : memref<128x128xf32, #tpu.memory_space<vmem>>) target(%dma_start3A_150 : memref<10240x128xf32, #tpu.memory_space<vmem_shared>>) offsets(%dma_start3A_147 : memref<128xi32, #tpu.memory_space<vmem>>) semaphore(%run_scoped3A_140 : memref<!tpu.dma_semaphore, #tpu.memory_space<semaphore_mem>>) {add = true}
        %dma_wait3A_151 = arith.constant 0 : i32
        %dma_wait3A_152 = arith.constant 0 : i32
        %dma_wait3A_153 = tpu.memref_slice %arg9[%run_scoped3A_123, %dma_wait3A_151, %dma_wait3A_152] : memref<2x128x128xf32, #tpu.memory_space<vmem>> -> memref<1x128x128xf32, #tpu.memory_space<vmem>>
        %dma_wait3A_154 = tpu.memref_squeeze %dma_wait3A_153 : memref<1x128x128xf32, #tpu.memory_space<vmem>> -> memref<128x128xf32, #tpu.memory_space<vmem>>
        %dma_wait3A_155 = arith.constant 0 : i32
        %dma_wait3A_156 = tpu.memref_slice %arg8[%add3A_107, %dma_wait3A_155] : memref<40x128xi32, #tpu.memory_space<vmem>> -> memref<1x128xi32, #tpu.memory_space<vmem>>
        %dma_wait3A_157 = tpu.memref_squeeze %dma_wait3A_156 : memref<1x128xi32, #tpu.memory_space<vmem>> -> memref<128xi32, #tpu.memory_space<vmem>>
        %dma_wait3A_158 = arith.constant 0 : i32
        %dma_wait3A_159 = arith.constant 0 : i32
        %dma_wait3A_160 = tpu.memref_slice %arg10[%dma_wait3A_158, %dma_wait3A_159] : memref<10240x128xf32, #tpu.memory_space<vmem_shared>> -> memref<10240x128xf32, #tpu.memory_space<vmem_shared>>
        tpu.wait_indirect_dma semaphore(%run_scoped3A_140 : memref<!tpu.dma_semaphore, #tpu.memory_space<semaphore_mem>>) src(%dma_wait3A_154 : memref<128x128xf32, #tpu.memory_space<vmem>>) dst(%dma_wait3A_160 : memref<10240x128xf32, #tpu.memory_space<vmem_shared>>)
        tpu.yield
      }) : () -> ()
      %add3A_124 = arith.constant 1 : i32
      %add3A_125 = arith.addi %mul3A_72, %add3A_124 : i32
      %add3A_126 = arith.constant 2 : i32
      %add3A_127 = arith.addi %add3A_125, %add3A_126 : i32
      %dma_start3A_128 = arith.constant 1 : i32
      %dma_start3A_129 = arith.constant 0 : i32
      %dma_start3A_130 = arith.constant 0 : i32
      %dma_start3A_131 = tpu.memref_slice %arg9[%dma_start3A_128, %dma_start3A_129, %dma_start3A_130] : memref<2x128x128xf32, #tpu.memory_space<vmem>> -> memref<1x128x128xf32, #tpu.memory_space<vmem>>
      %dma_start3A_132 = tpu.memref_squeeze %dma_start3A_131 : memref<1x128x128xf32, #tpu.memory_space<vmem>> -> memref<128x128xf32, #tpu.memory_space<vmem>>
      %dma_start3A_133 = arith.constant 0 : i32
      %dma_start3A_134 = tpu.memref_slice %arg7[%add3A_127, %dma_start3A_133] : memref<40x128xi32, #tpu.memory_space<vmem>> -> memref<1x128xi32, #tpu.memory_space<vmem>>
      %dma_start3A_135 = tpu.memref_squeeze %dma_start3A_134 : memref<1x128xi32, #tpu.memory_space<vmem>> -> memref<128xi32, #tpu.memory_space<vmem>>
      %dma_start3A_136 = arith.constant 0 : i32
      %dma_start3A_137 = arith.constant 0 : i32
      %dma_start3A_138 = tpu.memref_slice %arg2[%dma_start3A_136, %dma_start3A_137] : memref<10000x128xf32, #tpu.memory_space<hbm>> -> memref<10000x128xf32, #tpu.memory_space<hbm>>
      tpu.enqueue_indirect_dma source(%dma_start3A_138 : memref<10000x128xf32, #tpu.memory_space<hbm>>) target(%dma_start3A_132 : memref<128x128xf32, #tpu.memory_space<vmem>>) offsets(%dma_start3A_135 : memref<128xi32, #tpu.memory_space<vmem>>) semaphore(%arg12 : memref<!tpu.dma_semaphore, #tpu.memory_space<semaphore_mem>>)
      %scan3A_139 = arith.constant 0 : i32
      scf.yield %scan3A_139 : i32
    }
    %scan3A_35 = arith.constant 19 : i32
    %dma_wait3A = arith.constant 0 : i32
    %dma_wait3A_36 = arith.constant 0 : i32
    %dma_wait3A_37 = arith.constant 0 : i32
    %dma_wait3A_38 = tpu.memref_slice %arg9[%dma_wait3A, %dma_wait3A_36, %dma_wait3A_37] : memref<2x128x128xf32, #tpu.memory_space<vmem>> -> memref<1x128x128xf32, #tpu.memory_space<vmem>>
    %dma_wait3A_39 = tpu.memref_squeeze %dma_wait3A_38 : memref<1x128x128xf32, #tpu.memory_space<vmem>> -> memref<128x128xf32, #tpu.memory_space<vmem>>
    %dma_wait3A_40 = arith.constant 0 : i32
    %dma_wait3A_41 = arith.constant 0 : i32
    %dma_wait3A_42 = tpu.memref_slice %arg2[%dma_wait3A_40, %dma_wait3A_41] : memref<10000x128xf32, #tpu.memory_space<hbm>> -> memref<128x128xf32, #tpu.memory_space<hbm>>
    %dma_wait3A_43 = arith.constant 0 : i32
    %dma_wait3A_44 = arith.constant 0 : i32
    %dma_wait3A_45 = tpu.memref_slice %arg9[%dma_wait3A, %dma_wait3A_43, %dma_wait3A_44] : memref<2x128x128xf32, #tpu.memory_space<vmem>> -> memref<1x128x128xf32, #tpu.memory_space<vmem>>
    %dma_wait3A_46 = tpu.memref_squeeze %dma_wait3A_45 : memref<1x128x128xf32, #tpu.memory_space<vmem>> -> memref<128x128xf32, #tpu.memory_space<vmem>>
    %dma_wait3A_47 = arith.constant 0 : i32
    %dma_wait3A_48 = arith.constant 0 : i32
    %dma_wait3A_49 = tpu.memref_slice %arg2[%dma_wait3A_47, %dma_wait3A_48] : memref<10000x128xf32, #tpu.memory_space<hbm>> -> memref<128x128xf32, #tpu.memory_space<hbm>>
    tpu.wait_dma2 semaphore(%arg11 : memref<!tpu.dma_semaphore, #tpu.memory_space<semaphore_mem>>) src(%dma_wait3A_49 : memref<128x128xf32, #tpu.memory_space<hbm>>) dst(%dma_wait3A_46 : memref<128x128xf32, #tpu.memory_space<vmem>>)
    %run_scoped3A = arith.constant 0 : i32
    %run_scoped3A_50 = arith.constant 38 : i32
    "tpu.region"() ({
      %run_scoped3A_69 = tpu.sem_alloc : memref<!tpu.dma_semaphore, #tpu.memory_space<semaphore_mem>>
      %dma_start3A_70 = arith.constant 0 : i32
      %dma_start3A_71 = arith.constant 0 : i32
      %dma_start3A_72 = tpu.memref_slice %arg9[%run_scoped3A, %dma_start3A_70, %dma_start3A_71] : memref<2x128x128xf32, #tpu.memory_space<vmem>> -> memref<1x128x128xf32, #tpu.memory_space<vmem>>
      %dma_start3A_73 = tpu.memref_squeeze %dma_start3A_72 : memref<1x128x128xf32, #tpu.memory_space<vmem>> -> memref<128x128xf32, #tpu.memory_space<vmem>>
      %dma_start3A_74 = arith.constant 0 : i32
      %dma_start3A_75 = tpu.memref_slice %arg8[%run_scoped3A_50, %dma_start3A_74] : memref<40x128xi32, #tpu.memory_space<vmem>> -> memref<1x128xi32, #tpu.memory_space<vmem>>
      %dma_start3A_76 = tpu.memref_squeeze %dma_start3A_75 : memref<1x128xi32, #tpu.memory_space<vmem>> -> memref<128xi32, #tpu.memory_space<vmem>>
      %dma_start3A_77 = arith.constant 0 : i32
      %dma_start3A_78 = arith.constant 0 : i32
      %dma_start3A_79 = tpu.memref_slice %arg10[%dma_start3A_77, %dma_start3A_78] : memref<10240x128xf32, #tpu.memory_space<vmem_shared>> -> memref<10240x128xf32, #tpu.memory_space<vmem_shared>>
      tpu.enqueue_indirect_dma source(%dma_start3A_73 : memref<128x128xf32, #tpu.memory_space<vmem>>) target(%dma_start3A_79 : memref<10240x128xf32, #tpu.memory_space<vmem_shared>>) offsets(%dma_start3A_76 : memref<128xi32, #tpu.memory_space<vmem>>) semaphore(%run_scoped3A_69 : memref<!tpu.dma_semaphore, #tpu.memory_space<semaphore_mem>>) {add = true}
      %dma_wait3A_80 = arith.constant 0 : i32
      %dma_wait3A_81 = arith.constant 0 : i32
      %dma_wait3A_82 = tpu.memref_slice %arg9[%run_scoped3A, %dma_wait3A_80, %dma_wait3A_81] : memref<2x128x128xf32, #tpu.memory_space<vmem>> -> memref<1x128x128xf32, #tpu.memory_space<vmem>>
      %dma_wait3A_83 = tpu.memref_squeeze %dma_wait3A_82 : memref<1x128x128xf32, #tpu.memory_space<vmem>> -> memref<128x128xf32, #tpu.memory_space<vmem>>
      %dma_wait3A_84 = arith.constant 0 : i32
      %dma_wait3A_85 = tpu.memref_slice %arg8[%run_scoped3A_50, %dma_wait3A_84] : memref<40x128xi32, #tpu.memory_space<vmem>> -> memref<1x128xi32, #tpu.memory_space<vmem>>
      %dma_wait3A_86 = tpu.memref_squeeze %dma_wait3A_85 : memref<1x128xi32, #tpu.memory_space<vmem>> -> memref<128xi32, #tpu.memory_space<vmem>>
      %dma_wait3A_87 = arith.constant 0 : i32
      %dma_wait3A_88 = arith.constant 0 : i32
      %dma_wait3A_89 = tpu.memref_slice %arg10[%dma_wait3A_87, %dma_wait3A_88] : memref<10240x128xf32, #tpu.memory_space<vmem_shared>> -> memref<10240x128xf32, #tpu.memory_space<vmem_shared>>
      tpu.wait_indirect_dma semaphore(%run_scoped3A_69 : memref<!tpu.dma_semaphore, #tpu.memory_space<semaphore_mem>>) src(%dma_wait3A_83 : memref<128x128xf32, #tpu.memory_space<vmem>>) dst(%dma_wait3A_89 : memref<10240x128xf32, #tpu.memory_space<vmem_shared>>)
      tpu.yield
    }) : () -> ()
    %dma_wait3A_51 = arith.constant 1 : i32
    %dma_wait3A_52 = arith.constant 0 : i32
    %dma_wait3A_53 = arith.constant 0 : i32
    %dma_wait3A_54 = tpu.memref_slice %arg9[%dma_wait3A_51, %dma_wait3A_52, %dma_wait3A_53] : memref<2x128x128xf32, #tpu.memory_space<vmem>> -> memref<1x128x128xf32, #tpu.memory_space<vmem>>
    %dma_wait3A_55 = tpu.memref_squeeze %dma_wait3A_54 : memref<1x128x128xf32, #tpu.memory_space<vmem>> -> memref<128x128xf32, #tpu.memory_space<vmem>>
    %dma_wait3A_56 = arith.constant 0 : i32
    %dma_wait3A_57 = arith.constant 0 : i32
    %dma_wait3A_58 = tpu.memref_slice %arg2[%dma_wait3A_56, %dma_wait3A_57] : memref<10000x128xf32, #tpu.memory_space<hbm>> -> memref<128x128xf32, #tpu.memory_space<hbm>>
    %dma_wait3A_59 = arith.constant 0 : i32
    %dma_wait3A_60 = arith.constant 0 : i32
    %dma_wait3A_61 = tpu.memref_slice %arg9[%dma_wait3A_51, %dma_wait3A_59, %dma_wait3A_60] : memref<2x128x128xf32, #tpu.memory_space<vmem>> -> memref<1x128x128xf32, #tpu.memory_space<vmem>>
    %dma_wait3A_62 = tpu.memref_squeeze %dma_wait3A_61 : memref<1x128x128xf32, #tpu.memory_space<vmem>> -> memref<128x128xf32, #tpu.memory_space<vmem>>
    %dma_wait3A_63 = arith.constant 0 : i32
    %dma_wait3A_64 = arith.constant 0 : i32
    %dma_wait3A_65 = tpu.memref_slice %arg2[%dma_wait3A_63, %dma_wait3A_64] : memref<10000x128xf32, #tpu.memory_space<hbm>> -> memref<128x128xf32, #tpu.memory_space<hbm>>
    tpu.wait_dma2 semaphore(%arg12 : memref<!tpu.dma_semaphore, #tpu.memory_space<semaphore_mem>>) src(%dma_wait3A_65 : memref<128x128xf32, #tpu.memory_space<hbm>>) dst(%dma_wait3A_62 : memref<128x128xf32, #tpu.memory_space<vmem>>)
    %run_scoped3A_66 = arith.constant 1 : i32
    %run_scoped3A_67 = arith.constant 39 : i32
    "tpu.region"() ({
      %run_scoped3A_69 = tpu.sem_alloc : memref<!tpu.dma_semaphore, #tpu.memory_space<semaphore_mem>>
      %dma_start3A_70 = arith.constant 0 : i32
      %dma_start3A_71 = arith.constant 0 : i32
      %dma_start3A_72 = tpu.memref_slice %arg9[%run_scoped3A_66, %dma_start3A_70, %dma_start3A_71] : memref<2x128x128xf32, #tpu.memory_space<vmem>> -> memref<1x128x128xf32, #tpu.memory_space<vmem>>
      %dma_start3A_73 = tpu.memref_squeeze %dma_start3A_72 : memref<1x128x128xf32, #tpu.memory_space<vmem>> -> memref<128x128xf32, #tpu.memory_space<vmem>>
      %dma_start3A_74 = arith.constant 0 : i32
      %dma_start3A_75 = tpu.memref_slice %arg8[%run_scoped3A_67, %dma_start3A_74] : memref<40x128xi32, #tpu.memory_space<vmem>> -> memref<1x128xi32, #tpu.memory_space<vmem>>
      %dma_start3A_76 = tpu.memref_squeeze %dma_start3A_75 : memref<1x128xi32, #tpu.memory_space<vmem>> -> memref<128xi32, #tpu.memory_space<vmem>>
      %dma_start3A_77 = arith.constant 0 : i32
      %dma_start3A_78 = arith.constant 0 : i32
      %dma_start3A_79 = tpu.memref_slice %arg10[%dma_start3A_77, %dma_start3A_78] : memref<10240x128xf32, #tpu.memory_space<vmem_shared>> -> memref<10240x128xf32, #tpu.memory_space<vmem_shared>>
      tpu.enqueue_indirect_dma source(%dma_start3A_73 : memref<128x128xf32, #tpu.memory_space<vmem>>) target(%dma_start3A_79 : memref<10240x128xf32, #tpu.memory_space<vmem_shared>>) offsets(%dma_start3A_76 : memref<128xi32, #tpu.memory_space<vmem>>) semaphore(%run_scoped3A_69 : memref<!tpu.dma_semaphore, #tpu.memory_space<semaphore_mem>>) {add = true}
      %dma_wait3A_80 = arith.constant 0 : i32
      %dma_wait3A_81 = arith.constant 0 : i32
      %dma_wait3A_82 = tpu.memref_slice %arg9[%run_scoped3A_66, %dma_wait3A_80, %dma_wait3A_81] : memref<2x128x128xf32, #tpu.memory_space<vmem>> -> memref<1x128x128xf32, #tpu.memory_space<vmem>>
      %dma_wait3A_83 = tpu.memref_squeeze %dma_wait3A_82 : memref<1x128x128xf32, #tpu.memory_space<vmem>> -> memref<128x128xf32, #tpu.memory_space<vmem>>
      %dma_wait3A_84 = arith.constant 0 : i32
      %dma_wait3A_85 = tpu.memref_slice %arg8[%run_scoped3A_67, %dma_wait3A_84] : memref<40x128xi32, #tpu.memory_space<vmem>> -> memref<1x128xi32, #tpu.memory_space<vmem>>
      %dma_wait3A_86 = tpu.memref_squeeze %dma_wait3A_85 : memref<1x128xi32, #tpu.memory_space<vmem>> -> memref<128xi32, #tpu.memory_space<vmem>>
      %dma_wait3A_87 = arith.constant 0 : i32
      %dma_wait3A_88 = arith.constant 0 : i32
      %dma_wait3A_89 = tpu.memref_slice %arg10[%dma_wait3A_87, %dma_wait3A_88] : memref<10240x128xf32, #tpu.memory_space<vmem_shared>> -> memref<10240x128xf32, #tpu.memory_space<vmem_shared>>
      tpu.wait_indirect_dma semaphore(%run_scoped3A_69 : memref<!tpu.dma_semaphore, #tpu.memory_space<semaphore_mem>>) src(%dma_wait3A_83 : memref<128x128xf32, #tpu.memory_space<vmem>>) dst(%dma_wait3A_89 : memref<10240x128xf32, #tpu.memory_space<vmem_shared>>)
      tpu.yield
    }) : () -> ()
    %barrier3A_68 = arith.constant 0 : index
    tpu.barrier barrier_id(%barrier3A_68)
    "tpu.region"() ({
      %run_scoped3A_69 = tpu.sem_alloc : memref<!tpu.dma_semaphore, #tpu.memory_space<semaphore_mem>>
      %dma_start3A_70 = arith.constant 0 : i32
      %dma_start3A_71 = tpu.memref_slice %arg6[%arg0, %multiple_of3A, %dma_start3A_70] : memref<2x10240x128xf32, #tpu.memory_space<hbm>> -> memref<1x640x128xf32, #tpu.memory_space<hbm>>
      %dma_start3A_72 = tpu.memref_squeeze %dma_start3A_71 : memref<1x640x128xf32, #tpu.memory_space<hbm>> -> memref<640x128xf32, #tpu.memory_space<hbm>>
      %dma_start3A_73 = arith.constant 0 : i32
      %dma_start3A_74 = tpu.memref_slice %arg10[%multiple_of3A, %dma_start3A_73] : memref<10240x128xf32, #tpu.memory_space<vmem_shared>> -> memref<640x128xf32, #tpu.memory_space<vmem_shared>>
      tpu.enqueue_dma source(%dma_start3A_74 : memref<640x128xf32, #tpu.memory_space<vmem_shared>>) target(%dma_start3A_72 : memref<640x128xf32, #tpu.memory_space<hbm>>) target_semaphore(%run_scoped3A_69 : memref<!tpu.dma_semaphore, #tpu.memory_space<semaphore_mem>>)
      %dma_wait3A_75 = arith.constant 0 : i32
      %dma_wait3A_76 = tpu.memref_slice %arg6[%arg0, %multiple_of3A, %dma_wait3A_75] : memref<2x10240x128xf32, #tpu.memory_space<hbm>> -> memref<1x640x128xf32, #tpu.memory_space<hbm>>
      %dma_wait3A_77 = tpu.memref_squeeze %dma_wait3A_76 : memref<1x640x128xf32, #tpu.memory_space<hbm>> -> memref<640x128xf32, #tpu.memory_space<hbm>>
      %dma_wait3A_78 = arith.constant 0 : i32
      %dma_wait3A_79 = tpu.memref_slice %arg10[%multiple_of3A, %dma_wait3A_78] : memref<10240x128xf32, #tpu.memory_space<vmem_shared>> -> memref<640x128xf32, #tpu.memory_space<vmem_shared>>
      tpu.wait_dma2 semaphore(%run_scoped3A_69 : memref<!tpu.dma_semaphore, #tpu.memory_space<semaphore_mem>>) src(%dma_wait3A_79 : memref<640x128xf32, #tpu.memory_space<vmem_shared>>) dst(%dma_wait3A_77 : memref<640x128xf32, #tpu.memory_space<hbm>>)
      tpu.yield
    }) : () -> ()
    return
  }
}

module attributes {stable_mosaic.version = 14 : i64} {
  func.func @_tc1a_body(%arg0: i32, %arg1: memref<1000x256xf32, #tpu.memory_space<vmem>>, %arg2: memref<256x128xf32, #tpu.memory_space<vmem>>, %arg3: memref<1000x128xf32, #tpu.memory_space<vmem>>) attributes {dimension_semantics = [#tpu.dimension_semantics<arbitrary>], iteration_bounds = array<i64: 10>, scalar_prefetch = 0 : i64, scratch_operands = 0 : i64, tpu.core_type = #tpu.core_type<tc>, window_params = [{transform_indices = @transform_0, window_bounds = array<i64: 1000, 256>}, {pipeline_mode = #tpu.pipeline_mode<synchronous>, transform_indices = @transform_1, window_bounds = array<i64: 256, 128>}, {transform_indices = @transform_2, window_bounds = array<i64: 1000, 128>}]} {
    %get3A = arith.constant 0 : index
    %get3A_0 = arith.constant 0 : index
    %get3A_1 = vector.load %arg1[%get3A, %get3A_0] : memref<1000x256xf32, #tpu.memory_space<vmem>>, vector<1000x256xf32>
    %get3A_2 = arith.constant 0 : index
    %get3A_3 = arith.constant 0 : index
    %get3A_4 = vector.load %arg2[%get3A_2, %get3A_3] : memref<256x128xf32, #tpu.memory_space<vmem>>, vector<256x128xf32>
    %dot_general3A = arith.constant dense<0.000000e+00> : vector<1000x128xf32>
    %dot_general3A_5 = tpu.matmul %get3A_1, %get3A_4, %dot_general3A {dimension_numbers = #tpu.dot_dimension_numbers<[1], [0], [0], [1], [0, 0, 1, 1], [], []>, precision = #tpu.contract_precision<fp32>, transpose_lhs_hint = false} : vector<1000x256xf32>, vector<256x128xf32>, vector<1000x128xf32> -> vector<1000x128xf32>
    %swap3A = arith.constant 0 : index
    %swap3A_6 = arith.constant 0 : index
    %swap3A_7 = vector.load %arg3[%swap3A, %swap3A_6] : memref<1000x128xf32, #tpu.memory_space<vmem>>, vector<1000x128xf32>
    tpu.vector_store %arg3[%swap3A, %swap3A_6], %dot_general3A_5 {strides = array<i32>} : memref<1000x128xf32, #tpu.memory_space<vmem>>, vector<1000x128xf32>,
    return
  }
  func.func @transform_0(%arg0: i32) -> (i32, i32) {
    %c0_i32 = arith.constant 0 : i32
    %c0_i32_0 = arith.constant 0 : i32
    return %arg0, %c0_i32 : i32, i32
  }
  func.func @transform_1(%arg0: i32) -> (i32, i32) {
    %c0_i32 = arith.constant 0 : i32
    %c0_i32_0 = arith.constant 0 : i32
    %c0_i32_1 = arith.constant 0 : i32
    return %c0_i32, %c0_i32_0 : i32, i32
  }
  func.func @transform_2(%arg0: i32) -> (i32, i32) {
    %c0_i32 = arith.constant 0 : i32
    %c0_i32_0 = arith.constant 0 : i32
    return %arg0, %c0_i32 : i32, i32
  }
}

module attributes {stable_mosaic.version = 14 : i64} {
  func.func @_tc1b_body(%arg0: i32, %arg1: memref<1000x128xf32, #tpu.memory_space<vmem>>, %arg2: memref<2x1000x128xf32, #tpu.memory_space<vmem>>, %arg3: memref<1000x128xf32, #tpu.memory_space<vmem>>) attributes {dimension_semantics = [#tpu.dimension_semantics<arbitrary>], iteration_bounds = array<i64: 10>, scalar_prefetch = 0 : i64, scratch_operands = 0 : i64, tpu.core_type = #tpu.core_type<tc>, window_params = [{transform_indices = @transform_0, window_bounds = array<i64: 1000, 128>}, {transform_indices = @transform_1, window_bounds = array<i64: 2, 1000, 128>}, {transform_indices = @transform_2, window_bounds = array<i64: 1000, 128>}]} {
    %get3A = arith.constant 0 : index
    %get3A_0 = arith.constant 0 : index
    %get3A_1 = arith.constant 0 : index
    %get3A_2 = vector.load %arg2[%get3A, %get3A_0, %get3A_1] : memref<2x1000x128xf32, #tpu.memory_space<vmem>>, vector<1x1000x1xf32>
    %get3A_3 = vector.shape_cast %get3A_2 : vector<1x1000x1xf32> to vector<1000x1xf32>
    %get3A_4 = arith.constant 1 : index
    %get3A_5 = arith.constant 0 : index
    %get3A_6 = arith.constant 0 : index
    %get3A_7 = vector.load %arg2[%get3A_4, %get3A_5, %get3A_6] : memref<2x1000x128xf32, #tpu.memory_space<vmem>>, vector<1x1000x1xf32>
    %get3A_8 = vector.shape_cast %get3A_7 : vector<1x1000x1xf32> to vector<1000x1xf32>
    %add3A = arith.addf %get3A_3, %get3A_8 : vector<1000x1xf32>
    %add3A_9 = arith.constant 1.000000e+00 : f32
    %add3A_10 = vector.broadcast %add3A_9 : f32 to vector<1000x1xf32>
    %add3A_11 = arith.addf %add3A, %add3A_10 : vector<1000x1xf32>
    %rsqrt3A = math.rsqrt %add3A_11 : vector<1000x1xf32>
    %mul3A = arith.constant 5.000000e-01 : f32
    %mul3A_12 = vector.broadcast %mul3A : f32 to vector<1000x1xf32>
    %mul3A_13 = arith.mulf %mul3A_12, %add3A_11 : vector<1000x1xf32>
    %mul3A_14 = arith.mulf %mul3A_13, %rsqrt3A : vector<1000x1xf32>
    %mul3A_15 = arith.mulf %mul3A_14, %rsqrt3A : vector<1000x1xf32>
    %sub3A = arith.constant 1.500000e+00 : f32
    %sub3A_16 = vector.broadcast %sub3A : f32 to vector<1000x1xf32>
    %sub3A_17 = arith.subf %sub3A_16, %mul3A_15 : vector<1000x1xf32>
    %mul3A_18 = arith.mulf %rsqrt3A, %sub3A_17 : vector<1000x1xf32>
    %get3A_19 = arith.constant 0 : index
    %get3A_20 = arith.constant 0 : index
    %get3A_21 = vector.load %arg1[%get3A_19, %get3A_20] : memref<1000x128xf32, #tpu.memory_space<vmem>>, vector<1000x128xf32>
    %mul3A_22 = vector.broadcast %mul3A_18 : vector<1000x1xf32> to vector<1000x128xf32>
    %mul3A_23 = arith.mulf %get3A_21, %mul3A_22 : vector<1000x128xf32>
    %swap3A = arith.constant 0 : index
    %swap3A_24 = arith.constant 0 : index
    %swap3A_25 = vector.load %arg3[%swap3A, %swap3A_24] : memref<1000x128xf32, #tpu.memory_space<vmem>>, vector<1000x128xf32>
    tpu.vector_store %arg3[%swap3A, %swap3A_24], %mul3A_23 {strides = array<i32>} : memref<1000x128xf32, #tpu.memory_space<vmem>>, vector<1000x128xf32>,
    return
  }
  func.func @transform_0(%arg0: i32) -> (i32, i32) {
    %c0_i32 = arith.constant 0 : i32
    %c0_i32_0 = arith.constant 0 : i32
    return %arg0, %c0_i32 : i32, i32
  }
  func.func @transform_1(%arg0: i32) -> (i32, i32, i32) {
    %c0_i32 = arith.constant 0 : i32
    %c0_i32_0 = arith.constant 0 : i32
    %c0_i32_1 = arith.constant 0 : i32
    return %c0_i32, %arg0, %c0_i32_0 : i32, i32, i32
  }
  func.func @transform_2(%arg0: i32) -> (i32, i32) {
    %c0_i32 = arith.constant 0 : i32
    %c0_i32_0 = arith.constant 0 : i32
    return %arg0, %c0_i32 : i32, i32
  }
}

module attributes {stable_mosaic.version = 14 : i64} {
  func.func @_tc2_body(%arg0: i32, %arg1: memref<2x1000x128xf32, #tpu.memory_space<vmem>>, %arg2: memref<1000x128xf32, #tpu.memory_space<vmem>>, %arg3: memref<2x1000x128xf32, #tpu.memory_space<vmem>>, %arg4: memref<1x128xf32, #tpu.memory_space<vmem>>, %arg5: memref<1000x128xf32, #tpu.memory_space<vmem>>) attributes {dimension_semantics = [#tpu.dimension_semantics<arbitrary>], iteration_bounds = array<i64: 10>, scalar_prefetch = 0 : i64, scratch_operands = 0 : i64, tpu.core_type = #tpu.core_type<tc>, window_params = [{transform_indices = @transform_0, window_bounds = array<i64: 2, 1000, 128>}, {transform_indices = @transform_1, window_bounds = array<i64: 1000, 128>}, {transform_indices = @transform_2, window_bounds = array<i64: 2, 1000, 128>}, {pipeline_mode = #tpu.pipeline_mode<synchronous>, transform_indices = @transform_3, window_bounds = array<i64: 1, 128>}, {transform_indices = @transform_4, window_bounds = array<i64: 1000, 128>}]} {
    %get3A = arith.constant 0 : index
    %get3A_0 = arith.constant 0 : index
    %get3A_1 = arith.constant 0 : index
    %get3A_2 = vector.load %arg3[%get3A, %get3A_0, %get3A_1] : memref<2x1000x128xf32, #tpu.memory_space<vmem>>, vector<1x1000x1xf32>
    %get3A_3 = vector.shape_cast %get3A_2 : vector<1x1000x1xf32> to vector<1000x1xf32>
    %get3A_4 = arith.constant 1 : index
    %get3A_5 = arith.constant 0 : index
    %get3A_6 = arith.constant 0 : index
    %get3A_7 = vector.load %arg3[%get3A_4, %get3A_5, %get3A_6] : memref<2x1000x128xf32, #tpu.memory_space<vmem>>, vector<1x1000x1xf32>
    %get3A_8 = vector.shape_cast %get3A_7 : vector<1x1000x1xf32> to vector<1000x1xf32>
    %add3A = arith.addf %get3A_3, %get3A_8 : vector<1000x1xf32>
    %add3A_9 = arith.constant 1.000000e+00 : f32
    %add3A_10 = vector.broadcast %add3A_9 : f32 to vector<1000x1xf32>
    %add3A_11 = arith.addf %add3A, %add3A_10 : vector<1000x1xf32>
    %rsqrt3A = math.rsqrt %add3A_11 : vector<1000x1xf32>
    %mul3A = arith.constant 5.000000e-01 : f32
    %mul3A_12 = vector.broadcast %mul3A : f32 to vector<1000x1xf32>
    %mul3A_13 = arith.mulf %mul3A_12, %add3A_11 : vector<1000x1xf32>
    %mul3A_14 = arith.mulf %mul3A_13, %rsqrt3A : vector<1000x1xf32>
    %mul3A_15 = arith.mulf %mul3A_14, %rsqrt3A : vector<1000x1xf32>
    %sub3A = arith.constant 1.500000e+00 : f32
    %sub3A_16 = vector.broadcast %sub3A : f32 to vector<1000x1xf32>
    %sub3A_17 = arith.subf %sub3A_16, %mul3A_15 : vector<1000x1xf32>
    %mul3A_18 = arith.mulf %rsqrt3A, %sub3A_17 : vector<1000x1xf32>
    %get3A_19 = arith.constant 0 : index
    %get3A_20 = arith.constant 0 : index
    %get3A_21 = arith.constant 0 : index
    %get3A_22 = vector.load %arg1[%get3A_19, %get3A_20, %get3A_21] : memref<2x1000x128xf32, #tpu.memory_space<vmem>>, vector<1x1000x128xf32>
    %get3A_23 = vector.shape_cast %get3A_22 : vector<1x1000x128xf32> to vector<1000x128xf32>
    %get3A_24 = arith.constant 1 : index
    %get3A_25 = arith.constant 0 : index
    %get3A_26 = arith.constant 0 : index
    %get3A_27 = vector.load %arg1[%get3A_24, %get3A_25, %get3A_26] : memref<2x1000x128xf32, #tpu.memory_space<vmem>>, vector<1x1000x128xf32>
    %get3A_28 = vector.shape_cast %get3A_27 : vector<1x1000x128xf32> to vector<1000x128xf32>
    %add3A_29 = arith.addf %get3A_23, %get3A_28 : vector<1000x128xf32>
    %get3A_30 = arith.constant 0 : index
    %get3A_31 = arith.constant 0 : index
    %get3A_32 = vector.load %arg2[%get3A_30, %get3A_31] : memref<1000x128xf32, #tpu.memory_space<vmem>>, vector<1000x128xf32>
    %add3A_33 = arith.addf %add3A_29, %get3A_32 : vector<1000x128xf32>
    %mul3A_34 = vector.broadcast %mul3A_18 : vector<1000x1xf32> to vector<1000x128xf32>
    %mul3A_35 = arith.mulf %add3A_33, %mul3A_34 : vector<1000x128xf32>
    %get3A_36 = arith.constant 0 : index
    %get3A_37 = arith.constant 0 : index
    %get3A_38 = vector.load %arg4[%get3A_36, %get3A_37] : memref<1x128xf32, #tpu.memory_space<vmem>>, vector<1x128xf32>
    %add3A_39 = vector.broadcast %get3A_38 : vector<1x128xf32> to vector<1000x128xf32>
    %add3A_40 = arith.addf %mul3A_35, %add3A_39 : vector<1000x128xf32>
    %max3A = arith.constant 0.000000e+00 : f32
    %max3A_41 = vector.broadcast %max3A : f32 to vector<1000x128xf32>
    %max3A_42 = arith.maximumf %add3A_40, %max3A_41 : vector<1000x128xf32>
    %mul3A_43 = vector.broadcast %mul3A_18 : vector<1000x1xf32> to vector<1000x128xf32>
    %mul3A_44 = arith.mulf %max3A_42, %mul3A_43 : vector<1000x128xf32>
    %swap3A = arith.constant 0 : index
    %swap3A_45 = arith.constant 0 : index
    %swap3A_46 = vector.load %arg5[%swap3A, %swap3A_45] : memref<1000x128xf32, #tpu.memory_space<vmem>>, vector<1000x128xf32>
    tpu.vector_store %arg5[%swap3A, %swap3A_45], %mul3A_44 {strides = array<i32>} : memref<1000x128xf32, #tpu.memory_space<vmem>>, vector<1000x128xf32>,
    return
  }
  func.func @transform_0(%arg0: i32) -> (i32, i32, i32) {
    %c0_i32 = arith.constant 0 : i32
    %c0_i32_0 = arith.constant 0 : i32
    %c0_i32_1 = arith.constant 0 : i32
    return %c0_i32, %arg0, %c0_i32_0 : i32, i32, i32
  }
  func.func @transform_1(%arg0: i32) -> (i32, i32) {
    %c0_i32 = arith.constant 0 : i32
    %c0_i32_0 = arith.constant 0 : i32
    return %arg0, %c0_i32 : i32, i32
  }
  func.func @transform_2(%arg0: i32) -> (i32, i32, i32) {
    %c0_i32 = arith.constant 0 : i32
    %c0_i32_0 = arith.constant 0 : i32
    %c0_i32_1 = arith.constant 0 : i32
    return %c0_i32, %arg0, %c0_i32_0 : i32, i32, i32
  }
  func.func @transform_3(%arg0: i32) -> (i32, i32) {
    %c0_i32 = arith.constant 0 : i32
    %c0_i32_0 = arith.constant 0 : i32
    %c0_i32_1 = arith.constant 0 : i32
    return %c0_i32, %c0_i32_0 : i32, i32
  }
  func.func @transform_4(%arg0: i32) -> (i32, i32) {
    %c0_i32 = arith.constant 0 : i32
    %c0_i32_0 = arith.constant 0 : i32
    return %arg0, %c0_i32 : i32, i32
  }
}

module attributes {stable_mosaic.version = 14 : i64} {
  func.func @_tc3_body(%arg0: i32, %arg1: memref<2x1000x128xf32, #tpu.memory_space<vmem>>, %arg2: memref<1000x128xf32, #tpu.memory_space<vmem>>, %arg3: memref<2x1000x128xf32, #tpu.memory_space<vmem>>, %arg4: memref<128x2xf32, #tpu.memory_space<vmem>>, %arg5: memref<1x2xf32, #tpu.memory_space<vmem>>, %arg6: memref<1000x2xf32, #tpu.memory_space<vmem>>) attributes {dimension_semantics = [#tpu.dimension_semantics<arbitrary>], iteration_bounds = array<i64: 10>, scalar_prefetch = 0 : i64, scratch_operands = 0 : i64, tpu.core_type = #tpu.core_type<tc>, window_params = [{transform_indices = @transform_0, window_bounds = array<i64: 2, 1000, 128>}, {transform_indices = @transform_1, window_bounds = array<i64: 1000, 128>}, {transform_indices = @transform_2, window_bounds = array<i64: 2, 1000, 128>}, {pipeline_mode = #tpu.pipeline_mode<synchronous>, transform_indices = @transform_3, window_bounds = array<i64: 128, 2>}, {pipeline_mode = #tpu.pipeline_mode<synchronous>, transform_indices = @transform_4, window_bounds = array<i64: 1, 2>}, {transform_indices = @transform_5, window_bounds = array<i64: 1000, 2>}]} {
    %get3A = arith.constant 0 : index
    %get3A_0 = arith.constant 0 : index
    %get3A_1 = arith.constant 0 : index
    %get3A_2 = vector.load %arg3[%get3A, %get3A_0, %get3A_1] : memref<2x1000x128xf32, #tpu.memory_space<vmem>>, vector<1x1000x1xf32>
    %get3A_3 = vector.shape_cast %get3A_2 : vector<1x1000x1xf32> to vector<1000x1xf32>
    %get3A_4 = arith.constant 1 : index
    %get3A_5 = arith.constant 0 : index
    %get3A_6 = arith.constant 0 : index
    %get3A_7 = vector.load %arg3[%get3A_4, %get3A_5, %get3A_6] : memref<2x1000x128xf32, #tpu.memory_space<vmem>>, vector<1x1000x1xf32>
    %get3A_8 = vector.shape_cast %get3A_7 : vector<1x1000x1xf32> to vector<1000x1xf32>
    %add3A = arith.addf %get3A_3, %get3A_8 : vector<1000x1xf32>
    %add3A_9 = arith.constant 1.000000e+00 : f32
    %add3A_10 = vector.broadcast %add3A_9 : f32 to vector<1000x1xf32>
    %add3A_11 = arith.addf %add3A, %add3A_10 : vector<1000x1xf32>
    %rsqrt3A = math.rsqrt %add3A_11 : vector<1000x1xf32>
    %mul3A = arith.constant 5.000000e-01 : f32
    %mul3A_12 = vector.broadcast %mul3A : f32 to vector<1000x1xf32>
    %mul3A_13 = arith.mulf %mul3A_12, %add3A_11 : vector<1000x1xf32>
    %mul3A_14 = arith.mulf %mul3A_13, %rsqrt3A : vector<1000x1xf32>
    %mul3A_15 = arith.mulf %mul3A_14, %rsqrt3A : vector<1000x1xf32>
    %sub3A = arith.constant 1.500000e+00 : f32
    %sub3A_16 = vector.broadcast %sub3A : f32 to vector<1000x1xf32>
    %sub3A_17 = arith.subf %sub3A_16, %mul3A_15 : vector<1000x1xf32>
    %mul3A_18 = arith.mulf %rsqrt3A, %sub3A_17 : vector<1000x1xf32>
    %get3A_19 = arith.constant 0 : index
    %get3A_20 = arith.constant 0 : index
    %get3A_21 = arith.constant 0 : index
    %get3A_22 = vector.load %arg1[%get3A_19, %get3A_20, %get3A_21] : memref<2x1000x128xf32, #tpu.memory_space<vmem>>, vector<1x1000x128xf32>
    %get3A_23 = vector.shape_cast %get3A_22 : vector<1x1000x128xf32> to vector<1000x128xf32>
    %get3A_24 = arith.constant 1 : index
    %get3A_25 = arith.constant 0 : index
    %get3A_26 = arith.constant 0 : index
    %get3A_27 = vector.load %arg1[%get3A_24, %get3A_25, %get3A_26] : memref<2x1000x128xf32, #tpu.memory_space<vmem>>, vector<1x1000x128xf32>
    %get3A_28 = vector.shape_cast %get3A_27 : vector<1x1000x128xf32> to vector<1000x128xf32>
    %add3A_29 = arith.addf %get3A_23, %get3A_28 : vector<1000x128xf32>
    %get3A_30 = arith.constant 0 : index
    %get3A_31 = arith.constant 0 : index
    %get3A_32 = vector.load %arg2[%get3A_30, %get3A_31] : memref<1000x128xf32, #tpu.memory_space<vmem>>, vector<1000x128xf32>
    %add3A_33 = arith.addf %add3A_29, %get3A_32 : vector<1000x128xf32>
    %get3A_34 = arith.constant 0 : index
    %get3A_35 = arith.constant 0 : index
    %get3A_36 = vector.load %arg4[%get3A_34, %get3A_35] : memref<128x2xf32, #tpu.memory_space<vmem>>, vector<128x2xf32>
    %dot_general3A = arith.constant dense<0.000000e+00> : vector<1000x2xf32>
    %dot_general3A_37 = tpu.matmul %add3A_33, %get3A_36, %dot_general3A {dimension_numbers = #tpu.dot_dimension_numbers<[1], [0], [0], [1], [0, 0, 1, 1], [], []>, precision = #tpu.contract_precision<fp32>, transpose_lhs_hint = false} : vector<1000x128xf32>, vector<128x2xf32>, vector<1000x2xf32> -> vector<1000x2xf32>
    %mul3A_38 = vector.broadcast %mul3A_18 : vector<1000x1xf32> to vector<1000x2xf32>
    %mul3A_39 = arith.mulf %dot_general3A_37, %mul3A_38 : vector<1000x2xf32>
    %get3A_40 = arith.constant 0 : index
    %get3A_41 = arith.constant 0 : index
    %get3A_42 = vector.load %arg5[%get3A_40, %get3A_41] : memref<1x2xf32, #tpu.memory_space<vmem>>, vector<1x2xf32>
    %add3A_43 = vector.broadcast %get3A_42 : vector<1x2xf32> to vector<1000x2xf32>
    %add3A_44 = arith.addf %mul3A_39, %add3A_43 : vector<1000x2xf32>
    %swap3A = arith.constant 0 : index
    %swap3A_45 = arith.constant 0 : index
    %swap3A_46 = vector.load %arg6[%swap3A, %swap3A_45] : memref<1000x2xf32, #tpu.memory_space<vmem>>, vector<1000x2xf32>
    tpu.vector_store %arg6[%swap3A, %swap3A_45], %add3A_44 {strides = array<i32>} : memref<1000x2xf32, #tpu.memory_space<vmem>>, vector<1000x2xf32>,
    return
  }
  func.func @transform_0(%arg0: i32) -> (i32, i32, i32) {
    %c0_i32 = arith.constant 0 : i32
    %c0_i32_0 = arith.constant 0 : i32
    %c0_i32_1 = arith.constant 0 : i32
    return %c0_i32, %arg0, %c0_i32_0 : i32, i32, i32
  }
  func.func @transform_1(%arg0: i32) -> (i32, i32) {
    %c0_i32 = arith.constant 0 : i32
    %c0_i32_0 = arith.constant 0 : i32
    return %arg0, %c0_i32 : i32, i32
  }
  func.func @transform_2(%arg0: i32) -> (i32, i32, i32) {
    %c0_i32 = arith.constant 0 : i32
    %c0_i32_0 = arith.constant 0 : i32
    %c0_i32_1 = arith.constant 0 : i32
    return %c0_i32, %arg0, %c0_i32_0 : i32, i32, i32
  }
  func.func @transform_3(%arg0: i32) -> (i32, i32) {
    %c0_i32 = arith.constant 0 : i32
    %c0_i32_0 = arith.constant 0 : i32
    %c0_i32_1 = arith.constant 0 : i32
    return %c0_i32, %c0_i32_0 : i32, i32
  }
  func.func @transform_4(%arg0: i32) -> (i32, i32) {
    %c0_i32 = arith.constant 0 : i32
    %c0_i32_0 = arith.constant 0 : i32
    %c0_i32_1 = arith.constant 0 : i32
    return %c0_i32, %c0_i32_0 : i32, i32
  }
  func.func @transform_5(%arg0: i32) -> (i32, i32) {
    %c0_i32 = arith.constant 0 : i32
    %c0_i32_0 = arith.constant 0 : i32
    return %arg0, %c0_i32 : i32, i32
  }
}

</mosaic_0001>

<sc_bundles>
// kernel: kernel.12.cloned.1.call-start
scs
__scs_entry_jumppad:
0x0: {  	(pc) =	sbr.rel $0x88, $3  }
0x1: {  	(tag) =	ssettag $0x0;
	lr =	simm.s32 $0x1  }
0x2: {  	[smem:$0x3F9B] =	sst lr;
	_ =	strace $0xD0000000  }
0x3: {  	_ = 	snop  }
0x4: {  	_ = 	snop  }
0x5: {  	_ = 	snop  }
0x6: {  	_ = 	snop  }
0x7: {  	_ = 	snop  }
__scs_overlays_trampoline_lowered:
0x8: {  	[smem:$0x3FAA] =	sst s0  }
0x9: {  	[smem:$0x3FAB] =	sst s1  }
0xa: {  	[smem:$0x3FAC] =	sst s2  }
0xb: {  	[smem:$0x3FAD] =	sst s3  }
0xc: {  	[smem:$0x3FAE] =	sst s4  }
0xd: {  	[smem:$0x3FAF] =	sst s5  }
0xe: {  	[smem:$0x3FB0] =	sst s6  }
0xf: {  	[smem:$0x3FB1] =	sst s7  }
0x10: {  	[smem:$0x3FB2] =	sst s8  }
0x11: {  	[smem:$0x3FB3] =	sst s9;
	s0 =	simm.s32 @!p0 $0x0  }
0x12: {  	s1 =	sld [smem:$0x3F99];
	s0 =	simm.s32 @p0 $0x1  }
0x13: {  	[smem:$0x3FB4] =	sst s0;
	s0 =	simm.s32 @!p1 $0x0  }
0x14: {  	s2 =	sld [smem:$0x3F98];
	s0 =	simm.s32 @p1 $0x1  }
0x15: {  	[smem:$0x3FB5] =	sst s0;
	s0 =	simm.s32 @!p2 $0x0  }
0x16: {  	s3 =	sld [smem:$0x3FDB];
	s0 =	simm.s32 @p2 $0x1  }
0x17: {  	s4 =	simm.s32 $0x1BF5;
	[smem:$0x3FB7] =	sst s0  }
0x18: {  	s0 =	sld [smem:$0x3F9A];
	_ =	swait.ge [sflag:s4], $0x0  }
0x19: {  	s7 =	sld [smem:$0x3F9B]  }
0x1a: {  	s8 =	sadd.s32 $0xFFFFE003, lr  }
0x1b: {  	s9 =	sadd.s32 $0xFFFFFEF7, lr;
	s5 =	simm.s32 $0xFFFFFFFF;
	p2 =	slt.u32 s8, $0xFFFFF086  }
0x1c: {  	p1 =	slt.u32 s9, $0xF7A;
	s5 =	simm.s32 @!p2 $0x0  }
0x1d: {  	s5 =	simm.s32 @p1 $0x1;
	p0 =	seq.s32 s7, s2  }
0x1e: {  	s7 =	smul.u32 @!p0 $0xF7A, s2;
	p2 =	seq.s32 @!p0 s5, $0x0  }
0x1f: {  	s9 =	smul.u32 $0xF7A, s1;
	s8 =	simm.s32 @!p0 $0x1BF5;
	p2 =	por !p2, p0  }
0x20: {  	[sflag:s8] =	ssyncset.s32 @!p0 $0xFFFFF086;
	s6 =	sadd.s32 @!p0 s3, s7;
	s7 =	simm.s32 @!p0 $0x108  }
0x21: {  	s3 =	sadd.s32 s3, s9;
	s6 =	sadd.s32 @!p0 $0x88, s6;
	s7 =	simm.s32 @p2 $0x1082  }
0x22: {  	[simem:s7], [sflag:s8] =	dma.local @!p0 [hbm:s6], $0xF7A  }
0x23: {  	s9 =	sor.u32 $0xD0000000, s2;
	s6 =	simm.s32 $0x108;
	_ =	swait.ge @!p0 [sflag:s8], $0x0  }
0x24: {  	s3 =	sadd.s32 $0x88, s3;
	s6 =	simm.s32 @!p1 $0x1082;
	[sflag:s4] =	ssyncset.s32 $0xFFFFF086  }
0x25: {  	[simem:s6], [sflag:s4] =	dma.local [hbm:s3], $0xF7A  }
0x26: {  	[smem:$0x3F9B] =	sst s1;
	(tag) =	ssettag s2;
	_ =	strace s9  }
0x27: {  	s1 =	sld [smem:$0x3FAB]  }
0x28: {  	s2 =	sld [smem:$0x3FAC]  }
0x29: {  	s4 =	sld [smem:$0x3FAE]  }
0x2a: {  	p0 =	seq.s32 s5, $0x0;
	s5 =	sld [smem:$0x3FAF]  }
0x2b: {  	s6 =	sld [smem:$0x3FB0]  }
0x2c: {  	s7 =	sld [smem:$0x3FB1]  }
0x2d: {  	s3 =	simm.s32 $0x108;
	s8 =	sld [smem:$0x3FB2]  }
0x2e: {  	s3 =	simm.s32 @!p0 $0x1082;
	s9 =	sld [smem:$0x3FB3]  }
0x2f: {  	lr =	sadd.s32 s0, s3;
	s0 =	sld [smem:$0x3FAA]  }
0x30: {  	s3 =	sld [smem:$0x3FAD]  }
0x31: {  	[smem:$0x3FB6] =	sst s10  }
0x32: {  	s10 =	sld [smem:$0x3FB4];
	_ =	sdelay $0x3  }
0x33: {  	p0 =	seq.s32 s10, $0x1;
	s10 =	sld [smem:$0x3FB6];
	_ =	sdelay $0x3  }
0x34: {  	[smem:$0x3FB6] =	sst s10  }
0x35: {  	s10 =	sld [smem:$0x3FB5];
	_ =	sdelay $0x3  }
0x36: {  	p1 =	seq.s32 s10, $0x1;
	s10 =	sld [smem:$0x3FB6];
	_ =	sdelay $0x3  }
0x37: {  	[smem:$0x3FB6] =	sst s10  }
0x38: {  	s10 =	sld [smem:$0x3FB7]  }
0x39: {  	_ = 	snop;
	(pc) =	sbr.ind lr, $3  }
0x3a: {  	_ = 	snop  }
0x3b: {  	_ = 	snop  }
0x3c: {  	p2 =	seq.s32 s10, $0x1;
	s10 =	sld [smem:$0x3FB6]  }
0x3d: {  	_ =	shalt  }
0x3e: {  	_ =	shalt  }
0x3f: {  	_ =	shalt  }
0x40: {  	_ =	shalt  }
0x41: {  	_ =	shalt  }
0x42: {  	_ =	shalt  }
0x43: {  	_ =	shalt  }
0x44: {  	_ =	shalt  }
0x45: {  	_ =	shalt  }
0x46: {  	_ =	shalt  }
0x47: {  	_ =	shalt  }
0x48: {  	_ =	shalt  }
0x49: {  	_ =	shalt  }
0x4a: {  	_ =	shalt  }
0x4b: {  	_ =	shalt  }
0x4c: {  	_ =	shalt  }
0x4d: {  	_ =	shalt  }
0x4e: {  	_ =	shalt  }
0x4f: {  	_ =	shalt  }
0x50: {  	_ =	shalt  }
0x51: {  	_ =	shalt  }
0x52: {  	_ =	shalt  }
0x53: {  	_ =	shalt  }
0x54: {  	_ =	shalt  }
0x55: {  	_ =	shalt  }
0x56: {  	_ =	shalt  }
0x57: {  	_ =	shalt  }
0x58: {  	_ =	shalt  }
0x59: {  	_ =	shalt  }
0x5a: {  	_ =	shalt  }
0x5b: {  	_ =	shalt  }
0x5c: {  	_ =	shalt  }
0x5d: {  	_ =	shalt  }
0x5e: {  	_ =	shalt  }
0x5f: {  	_ =	shalt  }
0x60: {  	_ =	shalt  }
0x61: {  	_ =	shalt  }
0x62: {  	_ =	shalt  }
0x63: {  	_ =	shalt  }
0x64: {  	_ =	shalt  }
0x65: {  	_ =	shalt  }
0x66: {  	_ =	shalt  }
0x67: {  	_ =	shalt  }
0x68: {  	_ =	shalt  }
0x69: {  	_ =	shalt  }
0x6a: {  	_ =	shalt  }
0x6b: {  	_ =	shalt  }
0x6c: {  	_ =	shalt  }
0x6d: {  	_ =	shalt  }
0x6e: {  	_ =	shalt  }
0x6f: {  	_ =	shalt  }
0x70: {  	_ =	shalt  }
0x71: {  	_ =	shalt  }
0x72: {  	_ =	shalt  }
0x73: {  	_ =	shalt  }
0x74: {  	_ =	shalt  }
0x75: {  	_ =	shalt  }
0x76: {  	_ =	shalt  }
0x77: {  	_ =	shalt  }
0x78: {  	_ =	shalt  }
0x79: {  	_ =	shalt  }
0x7a: {  	_ =	shalt  }
0x7b: {  	_ =	shalt  }
0x7c: {  	_ =	shalt  }
0x7d: {  	_ =	shalt  }
0x7e: {  	_ =	shalt  }
0x7f: {  	_ =	shalt  }
0x80: {  	_ =	shalt  }
0x81: {  	_ =	shalt  }
0x82: {  	_ =	shalt  }
0x83: {  	_ =	shalt  }
0x84: {  	_ =	shalt  }
0x85: {  	_ =	shalt  }
0x86: {  	_ =	shalt  }
0x87: {  	_ =	shalt  }
.Lfunc_end0:
.L_simem_size_0:
called_computation.1_lowered:
.L_overlay_start_0:
0x88: {  	s2 =	sld [smem:$0x3FD9]  }
0x89: {  	s3 =	sld [smem:$0x3FFE];
	_ =	sdelay $0x1  }
0x8a: {  	s1 =	srdreg.scid  }
0x8b: {  	s0 =	sand.u32 $0x1, s1  }
0x8c: {  	s16 =	sshll.u32 s0, $0xA;
	s2 =	sadd.s32 s3, s2  }
0x8d: {  	s2 =	sadd.s32 s2, s16  }
0x8e: {  	[smem:$0x3FC2] =	sst s2  }
0x8f: {  	_ = 	snop  }
0x90: {  	(tm) =	ssettm $0x1  }
0x91: {  	s17 =	sld [smem:$0x3FFB];
	_ =	sdelay $0x3  }
0x92: {  	_ =	strace s17  }
0x93: {  	s2 =	sld [smem:$0x3FFC];
	_ =	sdelay $0x3  }
0x94: {  	_ =	strace s2  }
0x95: {  	s2 =	sld [smem:$0x3FFD];
	_ =	sdelay $0x3  }
0x96: {  	_ =	strace s2  }
0x97: {  	_ =	strace $0x8FFFFFFF  }
0x98: {  	s18 =	sld [smem:$0x3FDB];
	_ =	sdelay $0x1  }
0x99: {  	s19 =	simm.s32 $_scs_section_size  }
0x9a: {  	s4 =	simm.s32 $_size__tile_overlayer_lowered;
	s5 =	simm.s32 $_tile_overlayer_lowered  }
0x9b: {  	s22 =	simm.s32 $0x1BFF;
	s21 =	sshll.u32 s5, $0x1;
	s2 =	sadd.s32 s19, s18  }
0x9c: {  	s6 =	simm.s32 $0x0;
	s20 =	sshll.u32 s4, $0x1;
	s4 =	sadd.s32 s21, s2  }
0x9d: {  	[timem:s6], [sflag:s22] =	dma.local [hbm:s4], s20  }
0x9e: {  	_ =	swait.ge [sflag:s22], s20  }
0x9f: {  	s3 =	ssub.s32 $0x0, s20;
	[sflag:s22] =	ssyncset.done $0x0  }
0xa0: {  	[sflag:s22] =	ssyncadd.s32 s3;
	_ =	sdelay $0x1  }
0xa1: {  	s23 =	simm.s32 $0x1B8B  }
0xa2: {  	_ =	swait.ge [sflag:s23], $0x1  }
0xa3: {  	[sflag:s23] =	ssyncset.done $0x0  }
0xa4: {  	s25 =	simm.s32 $0x1B8E;
	s24 =	sld [smem:$0x3FFE];
	[sflag:s23] =	ssyncadd.s32 $0xFFFFFFFF  }
0xa5: {  	s26 =	simm.s32 $execute0_lowered;
	[smem:$0x3FD2] =	sst s25  }
0xa6: {  	s4 =	sshll.u32 s26, $0x1;
	_ =	strace $0x80000049;
	[dreg:$0x1] =	wrdreg $0xFFFFFFFF  }
0xa7: {  	s28 =	simm.s32 $_size_execute0_lowered;
	s2 =	sadd.s32 s2, s4;
	[dreg:$0x0] =	wrdreg $0x0  }
0xa8: {  	s4 =	sshll.u32 s28, $0x1;
	[dreg:$0x2] =	wrdreg s2  }
0xa9: {  	[dreg:$0x3] =	wrdreg s4  }
0xaa: {  	[dreg:$0x4] =	wrdreg $0xC0  }
0xab: {  	_ =	task [dreg:s6], $0x5FFFF  }
0xac: {  	[dreg:$0x1] =	wrdreg $0xFFFFFFFF  }
0xad: {  	[dreg:$0x0] =	wrdreg $0x60  }
0xae: {  	[dreg:$0x2] =	wrdreg s24  }
0xaf: {  	[dreg:$0x3] =	wrdreg $0xA8000  }
0xb0: {  	[dreg:$0x4] =	wrdreg $0x9  }
0xb1: {  	_ =	task.clear_ibuf [dreg:s6], $0x5FFFF;
	_ =	strace $0x90000049  }
0xb2: {  	s29 =	simm.s32 $0x9;
	_ =	strace $0x8000004B  }
0xb3: {  	_ =	swait.ge [sflag:s29], $0x1  }
0xb4: {  	[sflag:s29] =	ssyncadd.s32 $0xFFFFFFFF  }
0xb5: {  	_ =	strace $0x9000004B  }
0xb6: {  	_ =	sfence  }
0xb7: {  	s30 =	sld [smem:$0x0];
	_ =	sdelay $0x2  }
0xb8: {  	s31 =	sshll.u32 s1, $0xD;
	s1 =	sshrl.u32 s1, $0x2  }
0xb9: {  	s3 =	sand.u32 $0x4000, s31;
	s1 =	sadd.s32 s1, s30  }
0xba: {  	s0 =	sor.u32 s3, s0;
	s1 =	sshll.u32 s1, $0x11  }
0xbb: {  	s0 =	sor.u32 s1, s0  }
0xbc: {  	s0 =	sadd.s32 $0x8F2B, s0  }
0xbd: {  	[sflag:s0] =	ssyncadd.remote.s32 $0x1  }
0xbe: {  	_ =	sfence.sel $0xFFFF  }
0xbf: {  	[dreg:$0x0] =	wrdreg $0xFFFFFFFF;
	(pc) =	sbr.abs _section_cstart, $3  }
0xc0: {  	[dreg:$0x1] =	wrdreg $0xFFFFFFFF  }
0xc1: {  	_ =	task.clear_ibuf [dreg:s6], $0x2FFFF;
	_ =	strace $0x9FFFFFFF  }
0xc2: {  	(tm) =	ssettm $0x7FFFFFFF  }
0xc3: {  	_ =	shalt  }
tec
execute0_lowered:
.L_overlay_start_1:
0x0: {  	(tag) =	ssettag $0x1  }
0x1: {  	s6 =	rddreg [dreg:$0x0]  }
0x2: {  	s0 =	srdreg.scid;
	s2 =	rddreg [dreg:$0x1];
	s3 =	simm.s32 $0x0  }
0x3: {  	s12 =	simm.s32 $0x80;
	s13 =	simm.s32 $0x2800;
	s14 =	simm.s32 $0x6800  }
0x4: {  	s17 =	simm.s32 $0x1;
	s18 =	simm.s32 $0x2;
	s19 =	simm.s32 $0x2700  }
0x5: {  	s20 =	simm.s32 $0x2780;
	s5 =	sand.u32 $0x1, s0;
	s0 =	stileid.u32  }
0x6: {  	s21 =	simm.s32 $0x0;
	[smem:$0x7FF] =	sst s3;
	s8 =	smul.u32 $0x140000, s5  }
0x7: {  	s4 =	sadd.s32 $0x5F000, s6;
	s1 =	sshll.u32 s5, $0x4;
	s9 =	smul.u32 $0x14000, s0  }
0x8: {  	s31 =	ssub.s32 $0x2, s5;
	s10 =	smul.u32 $0x50000, s0;
	s5 =	sadd.s32 $0xC800, s6  }
0x9: {  	s15 =	sshll.u32 s0, $0x6;
	s1 =	sor.u32 s0, s1;
	s11 =	sshrl.u32 s31, $0x1  }
0xa: {  	s15 =	sor.u32 $0x1C03, s15;
	s7 =	smul.u32 $0x280, s1;
	s1 =	rddreg [dreg:$0x2]  }
0xb: {  	_ =	strace $0x8000004A;
	s8 =	sadd.s32 s9, s8;
	s9 =	ssub.s32 s31, s11  }
0xc: {  	s10 =	sshrl.u32 s10, $0x2;
	s11 =	simm.s32 $0x1400;
	s8 =	sshrl.u32 s8, $0x3  }
0xd: {  	s16 =	sadd.s32 s10, s2;
	s9 =	smax.u32 s9, $0x1;
	s10 =	simm.s32 $0x3  }
0xe: {  	s7 =	sadd.s32 s7, s6;
	s8 =	sadd.s32 s8, s6;
	s16 =	sshrl.u32 s16, $0x3  }
0xf: {  	s6 =	sadd.s32 $0x7800, s7;
	s7 =	sadd.s32 $0x2800, s7;
	s8 =	sadd.s32 $0x86200, s8  }
.LBB2_1:
0x10: {  	[tilespmem:s3], [sflag:$0x3] =	stream.linear.gather [hbm4b:s6+s3], $0x1400, $0x38;
	[tilespmem:$0x1E800] =	vst v63  }
0x11: {  	_ =	swait.ge [sflag:s10], $0x1400  }
0x12: {  	[sflag:s10] =	ssyncset.done $0x0  }
0x13: {  	[sflag:s10] =	ssyncadd.s32 $0xFFFFEC00  }
0x14: {  	[tilespmem:s11], [sflag:$0x3] =	stream.linear.gather [hbm4b:s7+s3], $0x1400, $0x38;
	[tilespmem:$0x1E800] =	vst v63  }
0x15: {  	_ =	swait.ge [sflag:s10], $0x1400  }
0x16: {  	[sflag:s10] =	ssyncset.done $0x0  }
0x17: {  	[sflag:s10] =	ssyncadd.s32 $0xFFFFEC00  }
0x18: {  	[tilespmem:s13], [sflag:$0x1] =	stream.indirect.gather [hbm4b:s4+s12], $0x80, s3, s12, $0xb8;
	[tilespmem:$0x1E800] =	vst v63  }
0x19: {  	_ = 	snop  }
0x1a: {  	[tilespmem:s14], [sflag:$0x2] =	stream.indirect.gather [hbm4b:s4+s12], $0x80, s12, s12, $0xb8;
	[tilespmem:$0x1E800] =	vst v63  }
0x1b: {  	[spmem:s16], [sflag:s15] =	dma.local [hbm:s5], $0x2800  }
0x1c: {  	_ =	swait.ge [sflag:s10], $0x2800  }
0x1d: {  	[sflag:s10] =	ssyncset.done $0x0  }
0x1e: {  	[sflag:s10] =	ssyncadd.s32 $0xFFFFD800  }
0x1f: {  	[bflag:$0x0] =	sbarrier.arrive $0xFFFF  }
0x20: {  	_ =	swait.ge [sflag:s17], $0x4000  }
0x21: {  	[sflag:s17] =	ssyncset.done $0x0  }
0x22: {  	s22 =	simm.s32 $0x1400;
	[sflag:s17] =	ssyncadd.s32 $0xFFFFC000  }
0x23: {  	[spmem:s2] =	stream.indirect.scatter.add.f32 [tilespmem:s13], [sflag:$0x3], $0x80, s22, s12, $0xb8;
	[tilespmem:$0x1E800] =	vst v63  }
0x24: {  	_ =	swait.ge [sflag:s10], $0x4000  }
0x25: {  	[sflag:s10] =	ssyncset.done $0x0  }
0x26: {  	s30 =	simm.s32 $0x100;
	[sflag:s10] =	ssyncadd.s32 $0xFFFFC000  }
0x27: {  	[tilespmem:s13], [sflag:$0x1] =	stream.indirect.gather [hbm4b:s4+s12], $0x80, s30, s12, $0xb8;
	[tilespmem:$0x1E800] =	vst v63  }
0x28: {  	_ =	swait.ge [sflag:s18], $0x4000  }
0x29: {  	[sflag:s18] =	ssyncset.done $0x0  }
0x2a: {  	s31 =	simm.s32 $0x1480;
	[sflag:s18] =	ssyncadd.s32 $0xFFFFC000  }
0x2b: {  	[spmem:s2] =	stream.indirect.scatter.add.f32 [tilespmem:s14], [sflag:$0x3], $0x80, s31, s12, $0xb8;
	[tilespmem:$0x1E800] =	vst v63  }
0x2c: {  	_ =	swait.ge [sflag:s10], $0x4000  }
0x2d: {  	[sflag:s10] =	ssyncset.done $0x0  }
0x2e: {  	s23 =	simm.s32 $0x180;
	s22 =	simm.s32 $0x400;
	[sflag:s10] =	ssyncadd.s32 $0xFFFFC000  }
.LBB2_2:
0x2f: {  	[tilespmem:s14], [sflag:$0x2] =	stream.indirect.gather [hbm4b:s4+s12], $0x80, s23, s12, $0xb8;
	[tilespmem:$0x1E800] =	vst v63  }
0x30: {  	s23 =	smov.u32 s22  }
0x31: {  	p0 =	sne.s32 s22, $0x4800;
	s22 =	sadd.s32 $0x400, s22;
	_ =	swait.ge [sflag:s17], $0x4000  }
0x32: {  	s23 =	sshra.s32 s23, $0x2;
	[sflag:s17] =	ssyncset.done $0x0  }
0x33: {  	s24 =	sadd.s32 $0x1400, s23;
	[sflag:s17] =	ssyncadd.s32 $0xFFFFC000  }
0x34: {  	[spmem:s2] =	stream.indirect.scatter.add.f32 [tilespmem:s13], [sflag:$0x3], $0x80, s24, s12, $0xb8;
	[tilespmem:$0x1E800] =	vst v63  }
0x35: {  	_ =	swait.ge [sflag:s10], $0x4000  }
0x36: {  	[sflag:s10] =	ssyncset.done $0x0  }
0x37: {  	s24 =	sadd.s32 $0x100, s23;
	[sflag:s10] =	ssyncadd.s32 $0xFFFFC000  }
0x38: {  	[tilespmem:s13], [sflag:$0x1] =	stream.indirect.gather [hbm4b:s4+s12], $0x80, s24, s12, $0xb8;
	[tilespmem:$0x1E800] =	vst v63  }
0x39: {  	_ =	swait.ge [sflag:s18], $0x4000  }
0x3a: {  	[sflag:s18] =	ssyncset.done $0x0  }
.Ltmp0:
0x3b: {  	s24 =	sadd.s32 $0x1480, s23;
	[sflag:s18] =	ssyncadd.s32 $0xFFFFC000;
	(pc) =	sbr.rel @p0 .LBB2_2-.Ltmp0, $4  }
0x3c: {  	[spmem:s2] =	stream.indirect.scatter.add.f32 [tilespmem:s14], [sflag:$0x3], $0x80, s24, s12, $0xb8;
	[tilespmem:$0x1E800] =	vst v63  }
0x3d: {  	_ =	swait.ge [sflag:s10], $0x4000  }
0x3e: {  	[sflag:s10] =	ssyncset.done $0x0  }
0x3f: {  	s23 =	sadd.s32 $0x180, s23;
	[sflag:s10] =	ssyncadd.s32 $0xFFFFC000  }
0x40: {  	[tilespmem:s14], [sflag:$0x2] =	stream.indirect.gather [hbm4b:s4+s12], $0x80, s23, s12, $0xb8;
	[tilespmem:$0x1E800] =	vst v63  }
0x41: {  	_ =	swait.ge [sflag:s17], $0x4000  }
0x42: {  	[sflag:s17] =	ssyncset.done $0x0  }
0x43: {  	[sflag:s17] =	ssyncadd.s32 $0xFFFFC000  }
0x44: {  	[spmem:s2] =	stream.indirect.scatter.add.f32 [tilespmem:s13], [sflag:$0x3], $0x80, s19, s12, $0xb8;
	[tilespmem:$0x1E800] =	vst v63  }
0x45: {  	_ =	swait.ge [sflag:s10], $0x4000  }
0x46: {  	[sflag:s10] =	ssyncset.done $0x0  }
0x47: {  	[sflag:s10] =	ssyncadd.s32 $0xFFFFC000  }
0x48: {  	_ =	swait.ge [sflag:s18], $0x4000  }
0x49: {  	[sflag:s18] =	ssyncset.done $0x0  }
0x4a: {  	[sflag:s18] =	ssyncadd.s32 $0xFFFFC000  }
0x4b: {  	[spmem:s2] =	stream.indirect.scatter.add.f32 [tilespmem:s14], [sflag:$0x3], $0x80, s20, s12, $0xb8;
	[tilespmem:$0x1E800] =	vst v63  }
0x4c: {  	_ =	swait.ge [sflag:s10], $0x4000  }
0x4d: {  	s21 =	sadd.s32 $0x1, s21;
	[sflag:s10] =	ssyncset.done $0x0  }
0x4e: {  	p0 =	sne.s32 s21, s9;
	[sflag:s10] =	ssyncadd.s32 $0xFFFFC000  }
.Ltmp1:
0x4f: {  	[bflag:$0x0] =	sbarrier.arrive $0xFFFF;
	(pc) =	sbr.rel @p0 .LBB2_1-.Ltmp1, $4  }
0x50: {  	[hbm:s8], [sflag:s15] =	dma.local [spmem:s16], $0x2800  }
0x51: {  	_ =	swait.ge [sflag:s10], $0x2800  }
0x52: {  	[sflag:s10] =	ssyncset.done $0x0  }
0x53: {  	[sflag:s10] =	ssyncadd.s32 $0xFFFFD800  }
0x54: {  	_ =	sfence.sel $0x180000  }
0x55: {  	[bflag:$0x0] =	sbarrier.arrive $0xFFFF  }
0x56: {  	p0 =	sne.s32 s0, $0x0;
	_ =	strace $0x9000004A  }
0x57: {  	s0 =	sadd.s32 @!p0 $0x100000, s1;
	[bflag:$0x2] =	sbarrier.arrive $0xFFFF  }
0x58: {  	[sflag:s0] =	ssyncadd.tile.s32 @!p0 $0x1;
	_ =	shalt  }
.Lfunc_end2:
_tile_overlayer_lowered:
.L_overlay_start_2:
0x59: {  	(tag) =	ssettag $0x2  }
0x5a: {  	s0 =	rddreg [dreg:$0x0];
	s2 =	stileid.u32  }
0x5b: {  	s1 =	rddreg [dreg:$0x1];
	p0 =	sne.s32 s2, $0x0  }
0x5c: {  	s3 =	rddreg [dreg:$0x2];
	[bflag:$0x3] =	sbarrier.arrive $0xFFFF;
	s2 =	simm.s32 @!p0 $0x1C03  }
0x5d: {  	[timem:s3], [sflag:s2] =	dma.local @!p0 [hbm:s0], s1  }
0x5e: {  	s0 =	simm.s32 @!p0 $0x3  }
0x5f: {  	_ =	swait.ge @!p0 [sflag:s0], s1  }
0x60: {  	s1 =	ssub.s32 @!p0 $0x0, s1;
	[sflag:s0] =	ssyncset.done @!p0 $0x0  }
0x61: {  	[sflag:s0] =	ssyncadd.s32 @!p0 s1  }
0x62: {  	[bflag:$0x3] =	sbarrier.arrive $0xFFFF  }
0x63: {  	_ =	shalt  }

// kernel: kernel.15.cloned.1.call-start
scs
__scs_entry_jumppad:
0x0: {  	(pc) =	sbr.rel $0x88, $3  }
0x1: {  	(tag) =	ssettag $0x0;
	lr =	simm.s32 $0x1  }
0x2: {  	[smem:$0x3F9B] =	sst lr;
	_ =	strace $0xD0000000  }
0x3: {  	_ = 	snop  }
0x4: {  	_ = 	snop  }
0x5: {  	_ = 	snop  }
0x6: {  	_ = 	snop  }
0x7: {  	_ = 	snop  }
__scs_overlays_trampoline_lowered:
0x8: {  	[smem:$0x3FAA] =	sst s0  }
0x9: {  	[smem:$0x3FAB] =	sst s1  }
0xa: {  	[smem:$0x3FAC] =	sst s2  }
0xb: {  	[smem:$0x3FAD] =	sst s3  }
0xc: {  	[smem:$0x3FAE] =	sst s4  }
0xd: {  	[smem:$0x3FAF] =	sst s5  }
0xe: {  	[smem:$0x3FB0] =	sst s6  }
0xf: {  	[smem:$0x3FB1] =	sst s7  }
0x10: {  	[smem:$0x3FB2] =	sst s8  }
0x11: {  	[smem:$0x3FB3] =	sst s9;
	s0 =	simm.s32 @!p0 $0x0  }
0x12: {  	s1 =	sld [smem:$0x3F99];
	s0 =	simm.s32 @p0 $0x1  }
0x13: {  	[smem:$0x3FB4] =	sst s0;
	s0 =	simm.s32 @!p1 $0x0  }
0x14: {  	s2 =	sld [smem:$0x3F98];
	s0 =	simm.s32 @p1 $0x1  }
0x15: {  	[smem:$0x3FB5] =	sst s0;
	s0 =	simm.s32 @!p2 $0x0  }
0x16: {  	s3 =	sld [smem:$0x3FDB];
	s0 =	simm.s32 @p2 $0x1  }
0x17: {  	s4 =	simm.s32 $0x1BF5;
	[smem:$0x3FB7] =	sst s0  }
0x18: {  	s0 =	sld [smem:$0x3F9A];
	_ =	swait.ge [sflag:s4], $0x0  }
0x19: {  	s7 =	sld [smem:$0x3F9B]  }
0x1a: {  	s8 =	sadd.s32 $0xFFFFE003, lr  }
0x1b: {  	s9 =	sadd.s32 $0xFFFFFEF7, lr;
	s5 =	simm.s32 $0xFFFFFFFF;
	p2 =	slt.u32 s8, $0xFFFFF086  }
0x1c: {  	p1 =	slt.u32 s9, $0xF7A;
	s5 =	simm.s32 @!p2 $0x0  }
0x1d: {  	s5 =	simm.s32 @p1 $0x1;
	p0 =	seq.s32 s7, s2  }
0x1e: {  	s7 =	smul.u32 @!p0 $0xF7A, s2;
	p2 =	seq.s32 @!p0 s5, $0x0  }
0x1f: {  	s9 =	smul.u32 $0xF7A, s1;
	s8 =	simm.s32 @!p0 $0x1BF5;
	p2 =	por !p2, p0  }
0x20: {  	[sflag:s8] =	ssyncset.s32 @!p0 $0xFFFFF086;
	s6 =	sadd.s32 @!p0 s3, s7;
	s7 =	simm.s32 @!p0 $0x108  }
0x21: {  	s3 =	sadd.s32 s3, s9;
	s6 =	sadd.s32 @!p0 $0x88, s6;
	s7 =	simm.s32 @p2 $0x1082  }
0x22: {  	[simem:s7], [sflag:s8] =	dma.local @!p0 [hbm:s6], $0xF7A  }
0x23: {  	s9 =	sor.u32 $0xD0000000, s2;
	s6 =	simm.s32 $0x108;
	_ =	swait.ge @!p0 [sflag:s8], $0x0  }
0x24: {  	s3 =	sadd.s32 $0x88, s3;
	s6 =	simm.s32 @!p1 $0x1082;
	[sflag:s4] =	ssyncset.s32 $0xFFFFF086  }
0x25: {  	[simem:s6], [sflag:s4] =	dma.local [hbm:s3], $0xF7A  }
0x26: {  	[smem:$0x3F9B] =	sst s1;
	(tag) =	ssettag s2;
	_ =	strace s9  }
0x27: {  	s1 =	sld [smem:$0x3FAB]  }
0x28: {  	s2 =	sld [smem:$0x3FAC]  }
0x29: {  	s4 =	sld [smem:$0x3FAE]  }
0x2a: {  	p0 =	seq.s32 s5, $0x0;
	s5 =	sld [smem:$0x3FAF]  }
0x2b: {  	s6 =	sld [smem:$0x3FB0]  }
0x2c: {  	s7 =	sld [smem:$0x3FB1]  }
0x2d: {  	s3 =	simm.s32 $0x108;
	s8 =	sld [smem:$0x3FB2]  }
0x2e: {  	s3 =	simm.s32 @!p0 $0x1082;
	s9 =	sld [smem:$0x3FB3]  }
0x2f: {  	lr =	sadd.s32 s0, s3;
	s0 =	sld [smem:$0x3FAA]  }
0x30: {  	s3 =	sld [smem:$0x3FAD]  }
0x31: {  	[smem:$0x3FB6] =	sst s10  }
0x32: {  	s10 =	sld [smem:$0x3FB4];
	_ =	sdelay $0x3  }
0x33: {  	p0 =	seq.s32 s10, $0x1;
	s10 =	sld [smem:$0x3FB6];
	_ =	sdelay $0x3  }
0x34: {  	[smem:$0x3FB6] =	sst s10  }
0x35: {  	s10 =	sld [smem:$0x3FB5];
	_ =	sdelay $0x3  }
0x36: {  	p1 =	seq.s32 s10, $0x1;
	s10 =	sld [smem:$0x3FB6];
	_ =	sdelay $0x3  }
0x37: {  	[smem:$0x3FB6] =	sst s10  }
0x38: {  	s10 =	sld [smem:$0x3FB7]  }
0x39: {  	_ = 	snop;
	(pc) =	sbr.ind lr, $3  }
0x3a: {  	_ = 	snop  }
0x3b: {  	_ = 	snop  }
0x3c: {  	p2 =	seq.s32 s10, $0x1;
	s10 =	sld [smem:$0x3FB6]  }
0x3d: {  	_ =	shalt  }
0x3e: {  	_ =	shalt  }
0x3f: {  	_ =	shalt  }
0x40: {  	_ =	shalt  }
0x41: {  	_ =	shalt  }
0x42: {  	_ =	shalt  }
0x43: {  	_ =	shalt  }
0x44: {  	_ =	shalt  }
0x45: {  	_ =	shalt  }
0x46: {  	_ =	shalt  }
0x47: {  	_ =	shalt  }
0x48: {  	_ =	shalt  }
0x49: {  	_ =	shalt  }
0x4a: {  	_ =	shalt  }
0x4b: {  	_ =	shalt  }
0x4c: {  	_ =	shalt  }
0x4d: {  	_ =	shalt  }
0x4e: {  	_ =	shalt  }
0x4f: {  	_ =	shalt  }
0x50: {  	_ =	shalt  }
0x51: {  	_ =	shalt  }
0x52: {  	_ =	shalt  }
0x53: {  	_ =	shalt  }
0x54: {  	_ =	shalt  }
0x55: {  	_ =	shalt  }
0x56: {  	_ =	shalt  }
0x57: {  	_ =	shalt  }
0x58: {  	_ =	shalt  }
0x59: {  	_ =	shalt  }
0x5a: {  	_ =	shalt  }
0x5b: {  	_ =	shalt  }
0x5c: {  	_ =	shalt  }
0x5d: {  	_ =	shalt  }
0x5e: {  	_ =	shalt  }
0x5f: {  	_ =	shalt  }
0x60: {  	_ =	shalt  }
0x61: {  	_ =	shalt  }
0x62: {  	_ =	shalt  }
0x63: {  	_ =	shalt  }
0x64: {  	_ =	shalt  }
0x65: {  	_ =	shalt  }
0x66: {  	_ =	shalt  }
0x67: {  	_ =	shalt  }
0x68: {  	_ =	shalt  }
0x69: {  	_ =	shalt  }
0x6a: {  	_ =	shalt  }
0x6b: {  	_ =	shalt  }
0x6c: {  	_ =	shalt  }
0x6d: {  	_ =	shalt  }
0x6e: {  	_ =	shalt  }
0x6f: {  	_ =	shalt  }
0x70: {  	_ =	shalt  }
0x71: {  	_ =	shalt  }
0x72: {  	_ =	shalt  }
0x73: {  	_ =	shalt  }
0x74: {  	_ =	shalt  }
0x75: {  	_ =	shalt  }
0x76: {  	_ =	shalt  }
0x77: {  	_ =	shalt  }
0x78: {  	_ =	shalt  }
0x79: {  	_ =	shalt  }
0x7a: {  	_ =	shalt  }
0x7b: {  	_ =	shalt  }
0x7c: {  	_ =	shalt  }
0x7d: {  	_ =	shalt  }
0x7e: {  	_ =	shalt  }
0x7f: {  	_ =	shalt  }
0x80: {  	_ =	shalt  }
0x81: {  	_ =	shalt  }
0x82: {  	_ =	shalt  }
0x83: {  	_ =	shalt  }
0x84: {  	_ =	shalt  }
0x85: {  	_ =	shalt  }
0x86: {  	_ =	shalt  }
0x87: {  	_ =	shalt  }
.Lfunc_end0:
.L_simem_size_0:
called_computation.2_lowered:
.L_overlay_start_0:
0x88: {  	s2 =	sld [smem:$0x3FD9]  }
0x89: {  	s3 =	sld [smem:$0x3FFE];
	_ =	sdelay $0x1  }
0x8a: {  	s1 =	srdreg.scid  }
0x8b: {  	s0 =	sand.u32 $0x1, s1  }
0x8c: {  	s16 =	sshll.u32 s0, $0xA;
	s2 =	sadd.s32 s3, s2  }
0x8d: {  	s2 =	sadd.s32 s2, s16  }
0x8e: {  	[smem:$0x3FC2] =	sst s2  }
0x8f: {  	_ = 	snop  }
0x90: {  	(tm) =	ssettm $0x1  }
0x91: {  	s17 =	sld [smem:$0x3FFB];
	_ =	sdelay $0x3  }
0x92: {  	_ =	strace s17  }
0x93: {  	s2 =	sld [smem:$0x3FFC];
	_ =	sdelay $0x3  }
0x94: {  	_ =	strace s2  }
0x95: {  	s2 =	sld [smem:$0x3FFD];
	_ =	sdelay $0x3  }
0x96: {  	_ =	strace s2  }
0x97: {  	_ =	strace $0x8FFFFFFF  }
0x98: {  	s18 =	sld [smem:$0x3FDB];
	_ =	sdelay $0x1  }
0x99: {  	s19 =	simm.s32 $_scs_section_size  }
0x9a: {  	s4 =	simm.s32 $_size__tile_overlayer_lowered;
	s5 =	simm.s32 $_tile_overlayer_lowered  }
0x9b: {  	s22 =	simm.s32 $0x1BFF;
	s21 =	sshll.u32 s5, $0x1;
	s2 =	sadd.s32 s19, s18  }
0x9c: {  	s6 =	simm.s32 $0x0;
	s20 =	sshll.u32 s4, $0x1;
	s4 =	sadd.s32 s21, s2  }
0x9d: {  	[timem:s6], [sflag:s22] =	dma.local [hbm:s4], s20  }
0x9e: {  	_ =	swait.ge [sflag:s22], s20  }
0x9f: {  	s3 =	ssub.s32 $0x0, s20;
	[sflag:s22] =	ssyncset.done $0x0  }
0xa0: {  	[sflag:s22] =	ssyncadd.s32 s3;
	_ =	sdelay $0x1  }
0xa1: {  	s23 =	simm.s32 $0x1B8B  }
0xa2: {  	_ =	swait.ge [sflag:s23], $0x1  }
0xa3: {  	[sflag:s23] =	ssyncset.done $0x0  }
0xa4: {  	s25 =	simm.s32 $0x1B8E;
	s24 =	sld [smem:$0x3FFE];
	[sflag:s23] =	ssyncadd.s32 $0xFFFFFFFF  }
0xa5: {  	s26 =	simm.s32 $execute0_lowered;
	[smem:$0x3FD2] =	sst s25  }
0xa6: {  	s4 =	sshll.u32 s26, $0x1;
	_ =	strace $0x8000004C;
	[dreg:$0x1] =	wrdreg $0xFFFFFFFF  }
0xa7: {  	s28 =	simm.s32 $_size_execute0_lowered;
	s2 =	sadd.s32 s2, s4;
	[dreg:$0x0] =	wrdreg $0x0  }
0xa8: {  	s4 =	sshll.u32 s28, $0x1;
	[dreg:$0x2] =	wrdreg s2  }
0xa9: {  	[dreg:$0x3] =	wrdreg s4  }
0xaa: {  	[dreg:$0x4] =	wrdreg $0xC0  }
0xab: {  	_ =	task [dreg:s6], $0x5FFFF  }
0xac: {  	[dreg:$0x1] =	wrdreg $0xFFFFFFFF  }
0xad: {  	[dreg:$0x0] =	wrdreg $0x60  }
0xae: {  	[dreg:$0x2] =	wrdreg s24  }
0xaf: {  	[dreg:$0x3] =	wrdreg $0xA8000  }
0xb0: {  	[dreg:$0x4] =	wrdreg $0x9  }
0xb1: {  	_ =	task.clear_ibuf [dreg:s6], $0x5FFFF;
	_ =	strace $0x9000004C  }
0xb2: {  	s29 =	simm.s32 $0x9;
	_ =	strace $0x8000004E  }
0xb3: {  	_ =	swait.ge [sflag:s29], $0x1  }
0xb4: {  	[sflag:s29] =	ssyncadd.s32 $0xFFFFFFFF  }
0xb5: {  	_ =	strace $0x9000004E  }
0xb6: {  	_ =	sfence  }
0xb7: {  	s30 =	sld [smem:$0x0];
	_ =	sdelay $0x2  }
0xb8: {  	s31 =	sshll.u32 s1, $0xD;
	s1 =	sshrl.u32 s1, $0x2  }
0xb9: {  	s3 =	sand.u32 $0x4000, s31;
	s1 =	sadd.s32 s1, s30  }
0xba: {  	s0 =	sor.u32 s3, s0;
	s1 =	sshll.u32 s1, $0x11  }
0xbb: {  	s0 =	sor.u32 s1, s0  }
0xbc: {  	s0 =	sadd.s32 $0x8F2B, s0  }
0xbd: {  	[sflag:s0] =	ssyncadd.remote.s32 $0x1  }
0xbe: {  	_ =	sfence.sel $0xFFFF  }
0xbf: {  	[dreg:$0x0] =	wrdreg $0xFFFFFFFF;
	(pc) =	sbr.abs _section_cstart, $3  }
0xc0: {  	[dreg:$0x1] =	wrdreg $0xFFFFFFFF  }
0xc1: {  	_ =	task.clear_ibuf [dreg:s6], $0x2FFFF;
	_ =	strace $0x9FFFFFFF  }
0xc2: {  	(tm) =	ssettm $0x7FFFFFFF  }
0xc3: {  	_ =	shalt  }
tec
execute0_lowered:
.L_overlay_start_1:
0x0: {  	(tag) =	ssettag $0x1  }
0x1: {  	s6 =	rddreg [dreg:$0x0]  }
0x2: {  	s0 =	srdreg.scid;
	s2 =	rddreg [dreg:$0x1];
	s3 =	simm.s32 $0x0  }
0x3: {  	s12 =	simm.s32 $0x80;
	s13 =	simm.s32 $0x2800;
	s14 =	simm.s32 $0x6800  }
0x4: {  	s17 =	simm.s32 $0x1;
	s18 =	simm.s32 $0x2;
	s19 =	simm.s32 $0x2700  }
0x5: {  	s20 =	simm.s32 $0x2780;
	s5 =	sand.u32 $0x1, s0;
	s0 =	stileid.u32  }
0x6: {  	s21 =	simm.s32 $0x0;
	[smem:$0x7FF] =	sst s3;
	s8 =	smul.u32 $0x140000, s5  }
0x7: {  	s4 =	sadd.s32 $0x5F000, s6;
	s1 =	sshll.u32 s5, $0x4;
	s9 =	smul.u32 $0x14000, s0  }
0x8: {  	s31 =	ssub.s32 $0x2, s5;
	s10 =	smul.u32 $0x50000, s0;
	s5 =	sadd.s32 $0xC800, s6  }
0x9: {  	s15 =	sshll.u32 s0, $0x6;
	s1 =	sor.u32 s0, s1;
	s11 =	sshrl.u32 s31, $0x1  }
0xa: {  	s15 =	sor.u32 $0x1C03, s15;
	s7 =	smul.u32 $0x280, s1;
	s1 =	rddreg [dreg:$0x2]  }
0xb: {  	_ =	strace $0x8000004D;
	s8 =	sadd.s32 s9, s8;
	s9 =	ssub.s32 s31, s11  }
0xc: {  	s10 =	sshrl.u32 s10, $0x2;
	s11 =	simm.s32 $0x1400;
	s8 =	sshrl.u32 s8, $0x3  }
0xd: {  	s16 =	sadd.s32 s10, s2;
	s9 =	smax.u32 s9, $0x1;
	s10 =	simm.s32 $0x3  }
0xe: {  	s7 =	sadd.s32 s7, s6;
	s8 =	sadd.s32 s8, s6;
	s16 =	sshrl.u32 s16, $0x3  }
0xf: {  	s6 =	sadd.s32 $0x7800, s7;
	s7 =	sadd.s32 $0x2800, s7;
	s8 =	sadd.s32 $0x86200, s8  }
.LBB2_1:
0x10: {  	[tilespmem:s3], [sflag:$0x3] =	stream.linear.gather [hbm4b:s6+s3], $0x1400, $0x38;
	[tilespmem:$0x1E800] =	vst v63  }
0x11: {  	_ =	swait.ge [sflag:s10], $0x1400  }
0x12: {  	[sflag:s10] =	ssyncset.done $0x0  }
0x13: {  	[sflag:s10] =	ssyncadd.s32 $0xFFFFEC00  }
0x14: {  	[tilespmem:s11], [sflag:$0x3] =	stream.linear.gather [hbm4b:s7+s3], $0x1400, $0x38;
	[tilespmem:$0x1E800] =	vst v63  }
0x15: {  	_ =	swait.ge [sflag:s10], $0x1400  }
0x16: {  	[sflag:s10] =	ssyncset.done $0x0  }
0x17: {  	[sflag:s10] =	ssyncadd.s32 $0xFFFFEC00  }
0x18: {  	[tilespmem:s13], [sflag:$0x1] =	stream.indirect.gather [hbm4b:s4+s12], $0x80, s3, s12, $0xb8;
	[tilespmem:$0x1E800] =	vst v63  }
0x19: {  	_ = 	snop  }
0x1a: {  	[tilespmem:s14], [sflag:$0x2] =	stream.indirect.gather [hbm4b:s4+s12], $0x80, s12, s12, $0xb8;
	[tilespmem:$0x1E800] =	vst v63  }
0x1b: {  	[spmem:s16], [sflag:s15] =	dma.local [hbm:s5], $0x2800  }
0x1c: {  	_ =	swait.ge [sflag:s10], $0x2800  }
0x1d: {  	[sflag:s10] =	ssyncset.done $0x0  }
0x1e: {  	[sflag:s10] =	ssyncadd.s32 $0xFFFFD800  }
0x1f: {  	[bflag:$0x0] =	sbarrier.arrive $0xFFFF  }
0x20: {  	_ =	swait.ge [sflag:s17], $0x4000  }
0x21: {  	[sflag:s17] =	ssyncset.done $0x0  }
0x22: {  	s22 =	simm.s32 $0x1400;
	[sflag:s17] =	ssyncadd.s32 $0xFFFFC000  }
0x23: {  	[spmem:s2] =	stream.indirect.scatter.add.f32 [tilespmem:s13], [sflag:$0x3], $0x80, s22, s12, $0xb8;
	[tilespmem:$0x1E800] =	vst v63  }
0x24: {  	_ =	swait.ge [sflag:s10], $0x4000  }
0x25: {  	[sflag:s10] =	ssyncset.done $0x0  }
0x26: {  	s30 =	simm.s32 $0x100;
	[sflag:s10] =	ssyncadd.s32 $0xFFFFC000  }
0x27: {  	[tilespmem:s13], [sflag:$0x1] =	stream.indirect.gather [hbm4b:s4+s12], $0x80, s30, s12, $0xb8;
	[tilespmem:$0x1E800] =	vst v63  }
0x28: {  	_ =	swait.ge [sflag:s18], $0x4000  }
0x29: {  	[sflag:s18] =	ssyncset.done $0x0  }
0x2a: {  	s31 =	simm.s32 $0x1480;
	[sflag:s18] =	ssyncadd.s32 $0xFFFFC000  }
0x2b: {  	[spmem:s2] =	stream.indirect.scatter.add.f32 [tilespmem:s14], [sflag:$0x3], $0x80, s31, s12, $0xb8;
	[tilespmem:$0x1E800] =	vst v63  }
0x2c: {  	_ =	swait.ge [sflag:s10], $0x4000  }
0x2d: {  	[sflag:s10] =	ssyncset.done $0x0  }
0x2e: {  	s23 =	simm.s32 $0x180;
	s22 =	simm.s32 $0x400;
	[sflag:s10] =	ssyncadd.s32 $0xFFFFC000  }
.LBB2_2:
0x2f: {  	[tilespmem:s14], [sflag:$0x2] =	stream.indirect.gather [hbm4b:s4+s12], $0x80, s23, s12, $0xb8;
	[tilespmem:$0x1E800] =	vst v63  }
0x30: {  	s23 =	smov.u32 s22  }
0x31: {  	p0 =	sne.s32 s22, $0x4800;
	s22 =	sadd.s32 $0x400, s22;
	_ =	swait.ge [sflag:s17], $0x4000  }
0x32: {  	s23 =	sshra.s32 s23, $0x2;
	[sflag:s17] =	ssyncset.done $0x0  }
0x33: {  	s24 =	sadd.s32 $0x1400, s23;
	[sflag:s17] =	ssyncadd.s32 $0xFFFFC000  }
0x34: {  	[spmem:s2] =	stream.indirect.scatter.add.f32 [tilespmem:s13], [sflag:$0x3], $0x80, s24, s12, $0xb8;
	[tilespmem:$0x1E800] =	vst v63  }
0x35: {  	_ =	swait.ge [sflag:s10], $0x4000  }
0x36: {  	[sflag:s10] =	ssyncset.done $0x0  }
0x37: {  	s24 =	sadd.s32 $0x100, s23;
	[sflag:s10] =	ssyncadd.s32 $0xFFFFC000  }
0x38: {  	[tilespmem:s13], [sflag:$0x1] =	stream.indirect.gather [hbm4b:s4+s12], $0x80, s24, s12, $0xb8;
	[tilespmem:$0x1E800] =	vst v63  }
0x39: {  	_ =	swait.ge [sflag:s18], $0x4000  }
0x3a: {  	[sflag:s18] =	ssyncset.done $0x0  }
.Ltmp0:
0x3b: {  	s24 =	sadd.s32 $0x1480, s23;
	[sflag:s18] =	ssyncadd.s32 $0xFFFFC000;
	(pc) =	sbr.rel @p0 .LBB2_2-.Ltmp0, $4  }
0x3c: {  	[spmem:s2] =	stream.indirect.scatter.add.f32 [tilespmem:s14], [sflag:$0x3], $0x80, s24, s12, $0xb8;
	[tilespmem:$0x1E800] =	vst v63  }
0x3d: {  	_ =	swait.ge [sflag:s10], $0x4000  }
0x3e: {  	[sflag:s10] =	ssyncset.done $0x0  }
0x3f: {  	s23 =	sadd.s32 $0x180, s23;
	[sflag:s10] =	ssyncadd.s32 $0xFFFFC000  }
0x40: {  	[tilespmem:s14], [sflag:$0x2] =	stream.indirect.gather [hbm4b:s4+s12], $0x80, s23, s12, $0xb8;
	[tilespmem:$0x1E800] =	vst v63  }
0x41: {  	_ =	swait.ge [sflag:s17], $0x4000  }
0x42: {  	[sflag:s17] =	ssyncset.done $0x0  }
0x43: {  	[sflag:s17] =	ssyncadd.s32 $0xFFFFC000  }
0x44: {  	[spmem:s2] =	stream.indirect.scatter.add.f32 [tilespmem:s13], [sflag:$0x3], $0x80, s19, s12, $0xb8;
	[tilespmem:$0x1E800] =	vst v63  }
0x45: {  	_ =	swait.ge [sflag:s10], $0x4000  }
0x46: {  	[sflag:s10] =	ssyncset.done $0x0  }
0x47: {  	[sflag:s10] =	ssyncadd.s32 $0xFFFFC000  }
0x48: {  	_ =	swait.ge [sflag:s18], $0x4000  }
0x49: {  	[sflag:s18] =	ssyncset.done $0x0  }
0x4a: {  	[sflag:s18] =	ssyncadd.s32 $0xFFFFC000  }
0x4b: {  	[spmem:s2] =	stream.indirect.scatter.add.f32 [tilespmem:s14], [sflag:$0x3], $0x80, s20, s12, $0xb8;
	[tilespmem:$0x1E800] =	vst v63  }
0x4c: {  	_ =	swait.ge [sflag:s10], $0x4000  }
0x4d: {  	s21 =	sadd.s32 $0x1, s21;
	[sflag:s10] =	ssyncset.done $0x0  }
0x4e: {  	p0 =	sne.s32 s21, s9;
	[sflag:s10] =	ssyncadd.s32 $0xFFFFC000  }
.Ltmp1:
0x4f: {  	[bflag:$0x0] =	sbarrier.arrive $0xFFFF;
	(pc) =	sbr.rel @p0 .LBB2_1-.Ltmp1, $4  }
0x50: {  	[hbm:s8], [sflag:s15] =	dma.local [spmem:s16], $0x2800  }
0x51: {  	_ =	swait.ge [sflag:s10], $0x2800  }
0x52: {  	[sflag:s10] =	ssyncset.done $0x0  }
0x53: {  	[sflag:s10] =	ssyncadd.s32 $0xFFFFD800  }
0x54: {  	_ =	sfence.sel $0x180000  }
0x55: {  	[bflag:$0x0] =	sbarrier.arrive $0xFFFF  }
0x56: {  	p0 =	sne.s32 s0, $0x0;
	_ =	strace $0x9000004D  }
0x57: {  	s0 =	sadd.s32 @!p0 $0x100000, s1;
	[bflag:$0x2] =	sbarrier.arrive $0xFFFF  }
0x58: {  	[sflag:s0] =	ssyncadd.tile.s32 @!p0 $0x1;
	_ =	shalt  }
.Lfunc_end2:
_tile_overlayer_lowered:
.L_overlay_start_2:
0x59: {  	(tag) =	ssettag $0x2  }
0x5a: {  	s0 =	rddreg [dreg:$0x0];
	s2 =	stileid.u32  }
0x5b: {  	s1 =	rddreg [dreg:$0x1];
	p0 =	sne.s32 s2, $0x0  }
0x5c: {  	s3 =	rddreg [dreg:$0x2];
	[bflag:$0x3] =	sbarrier.arrive $0xFFFF;
	s2 =	simm.s32 @!p0 $0x1C03  }
0x5d: {  	[timem:s3], [sflag:s2] =	dma.local @!p0 [hbm:s0], s1  }
0x5e: {  	s0 =	simm.s32 @!p0 $0x3  }
0x5f: {  	_ =	swait.ge @!p0 [sflag:s0], s1  }
0x60: {  	s1 =	ssub.s32 @!p0 $0x0, s1;
	[sflag:s0] =	ssyncset.done @!p0 $0x0  }
0x61: {  	[sflag:s0] =	ssyncadd.s32 @!p0 s1  }
0x62: {  	[bflag:$0x3] =	sbarrier.arrive $0xFFFF  }
0x63: {  	_ =	shalt  }

// kernel: kernel.9.cloned.1.call-start
scs
__scs_entry_jumppad:
0x0: {  	(pc) =	sbr.rel $0x88, $3  }
0x1: {  	(tag) =	ssettag $0x0;
	lr =	simm.s32 $0x1  }
0x2: {  	[smem:$0x3F9B] =	sst lr;
	_ =	strace $0xD0000000  }
0x3: {  	_ = 	snop  }
0x4: {  	_ = 	snop  }
0x5: {  	_ = 	snop  }
0x6: {  	_ = 	snop  }
0x7: {  	_ = 	snop  }
__scs_overlays_trampoline_lowered:
0x8: {  	[smem:$0x3FAA] =	sst s0  }
0x9: {  	[smem:$0x3FAB] =	sst s1  }
0xa: {  	[smem:$0x3FAC] =	sst s2  }
0xb: {  	[smem:$0x3FAD] =	sst s3  }
0xc: {  	[smem:$0x3FAE] =	sst s4  }
0xd: {  	[smem:$0x3FAF] =	sst s5  }
0xe: {  	[smem:$0x3FB0] =	sst s6  }
0xf: {  	[smem:$0x3FB1] =	sst s7  }
0x10: {  	[smem:$0x3FB2] =	sst s8  }
0x11: {  	[smem:$0x3FB3] =	sst s9;
	s0 =	simm.s32 @!p0 $0x0  }
0x12: {  	s1 =	sld [smem:$0x3F99];
	s0 =	simm.s32 @p0 $0x1  }
0x13: {  	[smem:$0x3FB4] =	sst s0;
	s0 =	simm.s32 @!p1 $0x0  }
0x14: {  	s2 =	sld [smem:$0x3F98];
	s0 =	simm.s32 @p1 $0x1  }
0x15: {  	[smem:$0x3FB5] =	sst s0;
	s0 =	simm.s32 @!p2 $0x0  }
0x16: {  	s3 =	sld [smem:$0x3FDB];
	s0 =	simm.s32 @p2 $0x1  }
0x17: {  	s4 =	simm.s32 $0x1BF5;
	[smem:$0x3FB7] =	sst s0  }
0x18: {  	s0 =	sld [smem:$0x3F9A];
	_ =	swait.ge [sflag:s4], $0x0  }
0x19: {  	s7 =	sld [smem:$0x3F9B]  }
0x1a: {  	s8 =	sadd.s32 $0xFFFFE003, lr  }
0x1b: {  	s9 =	sadd.s32 $0xFFFFFEF7, lr;
	s5 =	simm.s32 $0xFFFFFFFF;
	p2 =	slt.u32 s8, $0xFFFFF086  }
0x1c: {  	p1 =	slt.u32 s9, $0xF7A;
	s5 =	simm.s32 @!p2 $0x0  }
0x1d: {  	s5 =	simm.s32 @p1 $0x1;
	p0 =	seq.s32 s7, s2  }
0x1e: {  	s7 =	smul.u32 @!p0 $0xF7A, s2;
	p2 =	seq.s32 @!p0 s5, $0x0  }
0x1f: {  	s9 =	smul.u32 $0xF7A, s1;
	s8 =	simm.s32 @!p0 $0x1BF5;
	p2 =	por !p2, p0  }
0x20: {  	[sflag:s8] =	ssyncset.s32 @!p0 $0xFFFFF086;
	s6 =	sadd.s32 @!p0 s3, s7;
	s7 =	simm.s32 @!p0 $0x108  }
0x21: {  	s3 =	sadd.s32 s3, s9;
	s6 =	sadd.s32 @!p0 $0x88, s6;
	s7 =	simm.s32 @p2 $0x1082  }
0x22: {  	[simem:s7], [sflag:s8] =	dma.local @!p0 [hbm:s6], $0xF7A  }
0x23: {  	s9 =	sor.u32 $0xD0000000, s2;
	s6 =	simm.s32 $0x108;
	_ =	swait.ge @!p0 [sflag:s8], $0x0  }
0x24: {  	s3 =	sadd.s32 $0x88, s3;
	s6 =	simm.s32 @!p1 $0x1082;
	[sflag:s4] =	ssyncset.s32 $0xFFFFF086  }
0x25: {  	[simem:s6], [sflag:s4] =	dma.local [hbm:s3], $0xF7A  }
0x26: {  	[smem:$0x3F9B] =	sst s1;
	(tag) =	ssettag s2;
	_ =	strace s9  }
0x27: {  	s1 =	sld [smem:$0x3FAB]  }
0x28: {  	s2 =	sld [smem:$0x3FAC]  }
0x29: {  	s4 =	sld [smem:$0x3FAE]  }
0x2a: {  	p0 =	seq.s32 s5, $0x0;
	s5 =	sld [smem:$0x3FAF]  }
0x2b: {  	s6 =	sld [smem:$0x3FB0]  }
0x2c: {  	s7 =	sld [smem:$0x3FB1]  }
0x2d: {  	s3 =	simm.s32 $0x108;
	s8 =	sld [smem:$0x3FB2]  }
0x2e: {  	s3 =	simm.s32 @!p0 $0x1082;
	s9 =	sld [smem:$0x3FB3]  }
0x2f: {  	lr =	sadd.s32 s0, s3;
	s0 =	sld [smem:$0x3FAA]  }
0x30: {  	s3 =	sld [smem:$0x3FAD]  }
0x31: {  	[smem:$0x3FB6] =	sst s10  }
0x32: {  	s10 =	sld [smem:$0x3FB4];
	_ =	sdelay $0x3  }
0x33: {  	p0 =	seq.s32 s10, $0x1;
	s10 =	sld [smem:$0x3FB6];
	_ =	sdelay $0x3  }
0x34: {  	[smem:$0x3FB6] =	sst s10  }
0x35: {  	s10 =	sld [smem:$0x3FB5];
	_ =	sdelay $0x3  }
0x36: {  	p1 =	seq.s32 s10, $0x1;
	s10 =	sld [smem:$0x3FB6];
	_ =	sdelay $0x3  }
0x37: {  	[smem:$0x3FB6] =	sst s10  }
0x38: {  	s10 =	sld [smem:$0x3FB7]  }
0x39: {  	_ = 	snop;
	(pc) =	sbr.ind lr, $3  }
0x3a: {  	_ = 	snop  }
0x3b: {  	_ = 	snop  }
0x3c: {  	p2 =	seq.s32 s10, $0x1;
	s10 =	sld [smem:$0x3FB6]  }
0x3d: {  	_ =	shalt  }
0x3e: {  	_ =	shalt  }
0x3f: {  	_ =	shalt  }
0x40: {  	_ =	shalt  }
0x41: {  	_ =	shalt  }
0x42: {  	_ =	shalt  }
0x43: {  	_ =	shalt  }
0x44: {  	_ =	shalt  }
0x45: {  	_ =	shalt  }
0x46: {  	_ =	shalt  }
0x47: {  	_ =	shalt  }
0x48: {  	_ =	shalt  }
0x49: {  	_ =	shalt  }
0x4a: {  	_ =	shalt  }
0x4b: {  	_ =	shalt  }
0x4c: {  	_ =	shalt  }
0x4d: {  	_ =	shalt  }
0x4e: {  	_ =	shalt  }
0x4f: {  	_ =	shalt  }
0x50: {  	_ =	shalt  }
0x51: {  	_ =	shalt  }
0x52: {  	_ =	shalt  }
0x53: {  	_ =	shalt  }
0x54: {  	_ =	shalt  }
0x55: {  	_ =	shalt  }
0x56: {  	_ =	shalt  }
0x57: {  	_ =	shalt  }
0x58: {  	_ =	shalt  }
0x59: {  	_ =	shalt  }
0x5a: {  	_ =	shalt  }
0x5b: {  	_ =	shalt  }
0x5c: {  	_ =	shalt  }
0x5d: {  	_ =	shalt  }
0x5e: {  	_ =	shalt  }
0x5f: {  	_ =	shalt  }
0x60: {  	_ =	shalt  }
0x61: {  	_ =	shalt  }
0x62: {  	_ =	shalt  }
0x63: {  	_ =	shalt  }
0x64: {  	_ =	shalt  }
0x65: {  	_ =	shalt  }
0x66: {  	_ =	shalt  }
0x67: {  	_ =	shalt  }
0x68: {  	_ =	shalt  }
0x69: {  	_ =	shalt  }
0x6a: {  	_ =	shalt  }
0x6b: {  	_ =	shalt  }
0x6c: {  	_ =	shalt  }
0x6d: {  	_ =	shalt  }
0x6e: {  	_ =	shalt  }
0x6f: {  	_ =	shalt  }
0x70: {  	_ =	shalt  }
0x71: {  	_ =	shalt  }
0x72: {  	_ =	shalt  }
0x73: {  	_ =	shalt  }
0x74: {  	_ =	shalt  }
0x75: {  	_ =	shalt  }
0x76: {  	_ =	shalt  }
0x77: {  	_ =	shalt  }
0x78: {  	_ =	shalt  }
0x79: {  	_ =	shalt  }
0x7a: {  	_ =	shalt  }
0x7b: {  	_ =	shalt  }
0x7c: {  	_ =	shalt  }
0x7d: {  	_ =	shalt  }
0x7e: {  	_ =	shalt  }
0x7f: {  	_ =	shalt  }
0x80: {  	_ =	shalt  }
0x81: {  	_ =	shalt  }
0x82: {  	_ =	shalt  }
0x83: {  	_ =	shalt  }
0x84: {  	_ =	shalt  }
0x85: {  	_ =	shalt  }
0x86: {  	_ =	shalt  }
0x87: {  	_ =	shalt  }
.Lfunc_end0:
.L_simem_size_0:
called_computation_lowered:
.L_overlay_start_0:
0x88: {  	s2 =	sld [smem:$0x3FD9]  }
0x89: {  	s3 =	sld [smem:$0x3FFE];
	_ =	sdelay $0x1  }
0x8a: {  	s1 =	srdreg.scid  }
0x8b: {  	s0 =	sand.u32 $0x1, s1  }
0x8c: {  	s17 =	sshll.u32 s0, $0xA;
	s2 =	sadd.s32 s3, s2  }
0x8d: {  	s2 =	sadd.s32 s2, s17  }
0x8e: {  	[smem:$0x3FC2] =	sst s2  }
0x8f: {  	_ = 	snop  }
0x90: {  	s2 =	sld [smem:$0x3FD0];
	(tm) =	ssettm $0x1  }
0x91: {  	s18 =	sld [smem:$0x3FFB];
	_ =	sdelay $0x3  }
0x92: {  	_ =	strace s18  }
0x93: {  	s3 =	sld [smem:$0x3FFC];
	_ =	sdelay $0x3  }
0x94: {  	_ =	strace s3  }
0x95: {  	s3 =	sld [smem:$0x3FFD];
	_ =	sdelay $0x3  }
0x96: {  	_ =	strace s3  }
0x97: {  	_ =	strace $0x8FFFFFFF  }
0x98: {  	s19 =	sld [smem:$0x3FDB];
	_ =	sdelay $0x1  }
0x99: {  	s4 =	simm.s32 $_scs_section_size  }
0x9a: {  	s5 =	simm.s32 $_size__tile_overlayer_lowered;
	s6 =	simm.s32 $_tile_overlayer_lowered  }
0x9b: {  	s22 =	simm.s32 $0x1BFF;
	s21 =	sshll.u32 s6, $0x1;
	s3 =	sadd.s32 s4, s19  }
0x9c: {  	s7 =	simm.s32 $0x0;
	s20 =	sshll.u32 s5, $0x1;
	s5 =	sadd.s32 s21, s3  }
0x9d: {  	[timem:s7], [sflag:s22] =	dma.local [hbm:s5], s20  }
0x9e: {  	_ =	swait.ge [sflag:s22], s20  }
0x9f: {  	s4 =	ssub.s32 $0x0, s20;
	[sflag:s22] =	ssyncset.done $0x0  }
0xa0: {  	[sflag:s22] =	ssyncadd.s32 s4;
	_ =	sdelay $0x1  }
0xa1: {  	s23 =	simm.s32 $0x1B8B  }
0xa2: {  	_ =	swait.ge [sflag:s23], $0x1  }
0xa3: {  	[sflag:s23] =	ssyncset.done $0x0  }
0xa4: {  	s25 =	simm.s32 $0x1B8E;
	s24 =	sld [smem:$0x3FFE];
	[sflag:s23] =	ssyncadd.s32 $0xFFFFFFFF  }
0xa5: {  	s26 =	simm.s32 $execute0_lowered;
	[smem:$0x3FD2] =	sst s25  }
0xa6: {  	s5 =	sshll.u32 s26, $0x1;
	_ =	strace $0x80000046;
	[dreg:$0x1] =	wrdreg $0xFFFFFFFF  }
0xa7: {  	s28 =	simm.s32 $_size_execute0_lowered;
	s3 =	sadd.s32 s3, s5;
	[dreg:$0x0] =	wrdreg $0x0  }
0xa8: {  	s5 =	sshll.u32 s28, $0x1;
	[dreg:$0x2] =	wrdreg s3  }
0xa9: {  	[dreg:$0x3] =	wrdreg s5  }
0xaa: {  	[dreg:$0x4] =	wrdreg $0xC0  }
0xab: {  	_ =	task [dreg:s7], $0x5FFFF  }
0xac: {  	[dreg:$0x1] =	wrdreg $0xFFFFFFFF  }
0xad: {  	[dreg:$0x0] =	wrdreg $0x60  }
0xae: {  	[dreg:$0x2] =	wrdreg s24  }
0xaf: {  	[dreg:$0x3] =	wrdreg s2  }
0xb0: {  	[dreg:$0x4] =	wrdreg $0x54000  }
0xb1: {  	[dreg:$0x5] =	wrdreg $0x9  }
0xb2: {  	_ =	task.clear_ibuf [dreg:s7], $0x6FFFF;
	_ =	strace $0x90000046  }
0xb3: {  	s29 =	simm.s32 $0x9;
	_ =	strace $0x80000048  }
0xb4: {  	_ =	swait.ge [sflag:s29], $0x1  }
0xb5: {  	[sflag:s29] =	ssyncadd.s32 $0xFFFFFFFF  }
0xb6: {  	_ =	strace $0x90000048  }
0xb7: {  	_ =	sfence  }
0xb8: {  	s30 =	sld [smem:$0x0];
	_ =	sdelay $0x2  }
0xb9: {  	s31 =	sshll.u32 s1, $0xD;
	s1 =	sshrl.u32 s1, $0x2  }
0xba: {  	s3 =	sand.u32 $0x4000, s31;
	s1 =	sadd.s32 s1, s30  }
0xbb: {  	s0 =	sor.u32 s3, s0;
	s1 =	sshll.u32 s1, $0x11  }
0xbc: {  	s0 =	sor.u32 s1, s0  }
0xbd: {  	s0 =	sadd.s32 $0x8F2B, s0  }
0xbe: {  	[sflag:s0] =	ssyncadd.remote.s32 $0x1  }
0xbf: {  	_ =	sfence.sel $0xFFFF  }
0xc0: {  	[dreg:$0x0] =	wrdreg $0xFFFFFFFF;
	(pc) =	sbr.abs _section_cstart, $3  }
0xc1: {  	[dreg:$0x1] =	wrdreg $0xFFFFFFFF  }
0xc2: {  	_ =	task.clear_ibuf [dreg:s7], $0x2FFFF;
	_ =	strace $0x9FFFFFFF  }
0xc3: {  	(tm) =	ssettm $0x7FFFFFFF  }
tec
execute0_lowered:
.L_overlay_start_1:
0x0: {  	(tag) =	ssettag $0x1  }
0x1: {  	s6 =	rddreg [dreg:$0x0]  }
0x2: {  	s1 =	srdreg.scid;
	s2 =	rddreg [dreg:$0x1]  }
0x3: {  	s0 =	stileid.u32;
	s3 =	rddreg [dreg:$0x2];
	s4 =	simm.s32 $0x0  }
0x4: {  	s13 =	simm.s32 $0x80;
	s14 =	simm.s32 $0x0;
	s9 =	smul.u32 $0x14000, s0  }
0x5: {  	s7 =	sand.u32 $0x1, s1;
	s28 =	sshll.u32 s0, $0x1;
	s29 =	smul.u32 $0x50000, s0  }
0x6: {  	[smem:$0x7FF] =	sst s4;
	s1 =	sor.u32 s7, s28;
	s8 =	smul.u32 $0x140000, s7  }
0x7: {  	s31 =	sshll.u32 s0, $0x6;
	s7 =	ssub.s32 $0x2, s7;
	s5 =	smul.u32 $0x280, s1  }
0x8: {  	s1 =	rddreg [dreg:$0x3];
	_ =	strace $0x80000047;
	s30 =	sshrl.u32 s7, $0x1  }
0x9: {  	s8 =	sadd.s32 s9, s8;
	s9 =	sshrl.u32 s29, $0x2;
	s11 =	ssub.s32 s7, s30  }
0xa: {  	s10 =	sadd.s32 s5, s6;
	s5 =	sadd.s32 $0xC800, s6;
	s8 =	sshrl.u32 s8, $0x3  }
0xb: {  	s12 =	sadd.s32 s9, s3;
	s9 =	simm.s32 $0x1;
	s8 =	sadd.s32 s8, s6  }
0xc: {  	s6 =	sadd.s32 $0x2800, s10;
	s10 =	simm.s32 $0x1400;
	s12 =	sshrl.u32 s12, $0x3  }
0xd: {  	s7 =	sadd.s32 $0xF000, s8;
	s8 =	smax.u32 s11, $0x1;
	s11 =	sor.u32 $0x1C01, s31  }
.LBB2_1:
0xe: {  	[tilespmem:s4], [sflag:$0x1] =	stream.linear.gather [hbm4b:s6+s4], $0x1400, $0x38;
	[tilespmem:$0x19400] =	vst v63  }
0xf: {  	_ =	swait.ge [sflag:s9], $0x1400  }
0x10: {  	[sflag:s9] =	ssyncset.done $0x0  }
0x11: {  	[sflag:s9] =	ssyncadd.s32 $0xFFFFEC00  }
0x12: {  	[tilespmem:s10], [sflag:$0x1] =	stream.linear.gather [hbm4b:s2+s4], $0x4000, $0x38;
	[tilespmem:$0x19400] =	vst v63  }
0x13: {  	_ =	swait.ge [sflag:s9], $0x4000  }
0x14: {  	[sflag:s9] =	ssyncset.done $0x0  }
0x15: {  	[sflag:s9] =	ssyncadd.s32 $0xFFFFC000  }
0x16: {  	[spmem:s12], [sflag:s11] =	dma.local [hbm:s5], $0x2800  }
0x17: {  	_ =	swait.ge [sflag:s9], $0x2800  }
0x18: {  	[sflag:s9] =	ssyncset.done $0x0  }
0x19: {  	[sflag:s9] =	ssyncadd.s32 $0xFFFFD800  }
0x1a: {  	s15 =	simm.s32 $0x0;
	[bflag:$0x0] =	sbarrier.arrive $0xFFFF  }
0x1b: {  	[spmem:s3] =	stream.indirect.scatter.add.f32 [tilespmem:s10], [sflag:$0x1], $0x80, s15, s13, $0xb8;
	[tilespmem:$0x19400] =	vst v63  }
0x1c: {  	_ =	swait.ge [sflag:s9], $0x4000  }
0x1d: {  	s15 =	simm.s32 $0x200;
	[sflag:s9] =	ssyncset.done $0x0  }
.LBB2_2:
0x1e: {  	s16 =	sshra.s32 s15, $0x2;
	[sflag:s9] =	ssyncadd.s32 $0xFFFFC000;
	p0 =	sne.s32 s15, $0x4E00  }
0x1f: {  	[spmem:s3] =	stream.indirect.scatter.add.f32 [tilespmem:s10], [sflag:$0x1], $0x80, s16, s13, $0xb8;
	[tilespmem:$0x19400] =	vst v63  }
.Ltmp0:
0x20: {  	_ = 	snop;
	(pc) =	sbr.rel @p0 .LBB2_2-.Ltmp0, $4  }
0x21: {  	_ = 	snop  }
0x22: {  	s15 =	sadd.s32 $0x200, s15  }
0x23: {  	_ =	swait.ge [sflag:s9], $0x4000  }
0x24: {  	[sflag:s9] =	ssyncset.done $0x0  }
0x25: {  	s14 =	sadd.s32 $0x1, s14  }
0x26: {  	[sflag:s9] =	ssyncadd.s32 $0xFFFFC000;
	p0 =	sne.s32 s14, s8  }
.Ltmp1:
0x27: {  	[bflag:$0x0] =	sbarrier.arrive $0xFFFF;
	(pc) =	sbr.rel @p0 .LBB2_1-.Ltmp1, $4  }
0x28: {  	[hbm:s7], [sflag:s11] =	dma.local [spmem:s12], $0x2800  }
0x29: {  	_ =	swait.ge [sflag:s9], $0x2800  }
0x2a: {  	[sflag:s9] =	ssyncset.done $0x0  }
0x2b: {  	[sflag:s9] =	ssyncadd.s32 $0xFFFFD800  }
0x2c: {  	_ =	sfence.sel $0x180000  }
0x2d: {  	[bflag:$0x0] =	sbarrier.arrive $0xFFFF  }
0x2e: {  	p0 =	sne.s32 s0, $0x0;
	_ =	strace $0x90000047  }
0x2f: {  	s0 =	sadd.s32 @!p0 $0x100000, s1;
	[bflag:$0x2] =	sbarrier.arrive $0xFFFF  }
0x30: {  	[sflag:s0] =	ssyncadd.tile.s32 @!p0 $0x1;
	_ =	shalt  }
.Lfunc_end2:
_tile_overlayer_lowered:
.L_overlay_start_2:
0x31: {  	(tag) =	ssettag $0x2  }
0x32: {  	s0 =	rddreg [dreg:$0x0];
	s2 =	stileid.u32  }
0x33: {  	s1 =	rddreg [dreg:$0x1];
	p0 =	sne.s32 s2, $0x0  }
0x34: {  	s3 =	rddreg [dreg:$0x2];
	[bflag:$0x3] =	sbarrier.arrive $0xFFFF;
	s2 =	simm.s32 @!p0 $0x1C01  }
0x35: {  	[timem:s3], [sflag:s2] =	dma.local @!p0 [hbm:s0], s1  }
0x36: {  	s0 =	simm.s32 @!p0 $0x1  }
0x37: {  	_ =	swait.ge @!p0 [sflag:s0], s1  }
0x38: {  	s1 =	ssub.s32 @!p0 $0x0, s1;
	[sflag:s0] =	ssyncset.done @!p0 $0x0  }
0x39: {  	[sflag:s0] =	ssyncadd.s32 @!p0 s1  }
0x3a: {  	[bflag:$0x3] =	sbarrier.arrive $0xFFFF  }
0x3b: {  	_ =	shalt  }

</sc_bundles>
